<compile_context>
chip_gen: v7x
topology: tpu7x:2x2x1
jax: 0.10.2.dev20260603
libtpu: 0.0.44.dev20260713+nightly
codegen_flags: <defaults>
</compile_context>

<pallas_src>
import functools

import jax
import jax.numpy as jnp
from jax import lax
from jax.experimental import pallas as pl
from jax.experimental.pallas import tpu as pltpu
from jax.experimental.pallas import tpu_sc as plsc

_NC = 2
_NS = 16
_NW = _NC * _NS
_NBUF = 6
_L = 16


@functools.lru_cache(maxsize=None)
def _make_gather(B: int, T: int, D: int, V: int):
    assert B == 128 * _NW and D % 16 == 0
    DP = D
    R = D // 8
    mesh = plsc.VectorSubcoreMesh(core_axis_name="c", subcore_axis_name="s")

    @functools.partial(
        pl.kernel,
        out_type=jax.ShapeDtypeStruct((T, R, _NW, 8, 128), jnp.float32),
        mesh=mesh,
        scratch_types=[
            pltpu.VMEM((T, 128), jnp.int32),
            pltpu.VMEM((_NBUF, 128, DP), jnp.int32),
            pltpu.VMEM((2, R, 8, 128), jnp.float32),
            pltpu.SemaphoreType.DMA((_NBUF,)),
            pltpu.SemaphoreType.DMA((2,)),
        ],
        compiler_params=pltpu.CompilerParams(
            use_tc_tiling_on_sc=False, needs_layout_passes=False
        ),
    )
    def k(table_hbm, idx_hbm, out_hbm, idx_v, rows_v, tr_v, gsem, tsem):
        wid = lax.axis_index("s") * _NC + lax.axis_index("c")
        pltpu.sync_copy(idx_hbm.at[:, pl.ds(wid * 128, 128)], idx_v)

        def start_gather(g, buf):
            pltpu.async_copy(
                table_hbm.at[idx_v.at[g]], rows_v.at[buf], gsem.at[buf]
            )

        def store_descr(g, buf):
            return pltpu.make_async_copy(
                tr_v.at[buf], out_hbm.at[g, :, wid], tsem.at[buf]
            )

        for p in range(_NBUF - 1):
            start_gather(p, p)

        @pl.loop(0, T)
        def _(g):
            gbuf = lax.rem(g, _NBUF)
            tbuf = lax.rem(g, 2)

            @pl.when(g + _NBUF - 1 < T)
            def _():
                start_gather(g + _NBUF - 1, lax.rem(g + _NBUF - 1, _NBUF))

            pltpu.make_async_copy(
                table_hbm.at[idx_v.at[g]], rows_v.at[gbuf], gsem.at[gbuf]
            ).wait()

            @pl.when(g >= 2)
            def _():
                store_descr(g - 2, tbuf).wait()

            rows = rows_v.at[gbuf]
            tr3 = tr_v.at[tbuf]

            @pl.loop(0, _L)
            def _(j):
                iota = lax.iota(jnp.int32, _L)
                perm = jnp.bitwise_and(iota + j, _L - 1)
                for d0 in range(0, D, _L):
                    cols = d0 + perm
                    r_idx = lax.shift_right_logical(cols, 3)
                    s_idx = jnp.bitwise_and(cols, 7)
                    lane_g = [
                        l0 + lax.iota(jnp.int32, _L)
                        for l0 in range(0, 128, _L)
                    ]
                    w_g = [
                        plsc.load_gather(rows, [lanes, cols])
                        for lanes in lane_g
                    ]
                    for lanes, w32 in zip(lane_g, w_g):
                        plsc.store_scatter(
                            tr3,
                            [r_idx, s_idx, lanes],
                            lax.bitcast_convert_type(w32, jnp.float32),
                        )

            store_descr(g, tbuf).start()

        store_descr(T - 2, lax.rem(T - 2, 2)).wait()
        store_descr(T - 1, lax.rem(T - 1, 2)).wait()

    return k


def kernel(x, W):
    B, T = x.shape
    V, D = W.shape
    Wi = lax.bitcast_convert_type(W, jnp.int32)
    xT = x.T.astype(jnp.int32)
    out5 = _make_gather(B, T, D, V)(Wi, xT)
    return out5.transpose(2, 4, 0, 1, 3).reshape(B, T, D)

# --- scband reference (transcript-rebuilt; emitter-appended) ---
"""Pipeline reference for scband-token-embedding-5703716569789 (READ-ONLY COPY).

The authoritative reference and input builder live on the scoring server;
editing this copy changes nothing except your own understanding.
"""

import jax, jax.numpy as jnp
import numpy as np

VOCAB = 1000000
DIM = 64

def setup_inputs(seed: int = 0) -> dict:
    key = jax.random.key(seed)
    k1, k2 = jax.random.split(key)
    x = jax.random.randint(k1, (4096, 200), 0, VOCAB, dtype=jnp.int64 if jax.config.jax_enable_x64 else jnp.int32)
    W = jax.random.normal(k2, (VOCAB, DIM), dtype=jnp.float32)
    return {"x": x, "W": W}

def reference(x, W):
    # TokenEmbedding.forward: embedding lookup then dropout (p=0.0 -> identity in eval/train with p=0)
    X = jnp.take(W, x, axis=0)
    return X

if __name__ == "__main__":
    import jax
    _d = setup_inputs()
    print(jax.jit(kernel)(*tuple(_d.values())))

</pallas_src>

<mosaic_0001>
#map = affine_map<(d0, d1) -> (0, 0)>
#map1 = affine_map<(d0, d1) -> (0, 0, 0, 0, 0)>
module attributes {stable_mosaic.version = 14 : i64} {
  func.func @k(%arg0: i32, %arg1: i32, %arg2: memref<1000000x64xi32, #tpu.memory_space<hbm>>, %arg3: memref<200x4096xi32, #tpu.memory_space<hbm>>, %arg4: memref<200x8x32x8x128xf32, #tpu.memory_space<hbm>>, %arg5: memref<200x128xi32, #tpu.memory_space<vmem>>, %arg6: memref<6x128x64xi32, #tpu.memory_space<vmem>>, %arg7: memref<2x8x8x128xf32, #tpu.memory_space<vmem>>, %arg8: memref<6x!tpu.dma_semaphore, #tpu.memory_space<semaphore_mem>>, %arg9: memref<2x!tpu.dma_semaphore, #tpu.memory_space<semaphore_mem>>) attributes {dimension_semantics = [#tpu.dimension_semantics<core_parallel>, #tpu.dimension_semantics<subcore_parallel>], iteration_bounds = array<i64: 2, 16>, scalar_prefetch = 0 : i64, scratch_operands = 5 : i64, tpu.core_type = #tpu.core_type<sc_vector_subcore>, window_params = [{transform_indices = #map}, {transform_indices = #map}, {transform_indices = #map1}]} {
    %mul3A = arith.constant 2 : i32
    %mul3A_0 = arith.muli %arg1, %mul3A : i32
    %add3A = arith.addi %mul3A_0, %arg0 : i32
    %mul3A_1 = arith.constant 128 : i32
    %mul3A_2 = arith.muli %add3A, %mul3A_1 : i32
    "tpu.region"() ({
      %run_scoped3A = tpu.sem_alloc : memref<!tpu.dma_semaphore, #tpu.memory_space<semaphore_mem>>
      %dma_start3A_131 = arith.constant 0 : i32
      %dma_start3A_132 = tpu.memref_slice %arg3[%dma_start3A_131, %mul3A_2] : memref<200x4096xi32, #tpu.memory_space<hbm>> -> memref<200x128xi32, #tpu.memory_space<hbm>>
      %dma_start3A_133 = arith.constant 0 : i32
      %dma_start3A_134 = tpu.memref_slice %arg3[%dma_start3A_133, %mul3A_2] : memref<200x4096xi32, #tpu.memory_space<hbm>> -> memref<200x128xi32, #tpu.memory_space<hbm>>
      tpu.enqueue_dma source(%dma_start3A_134 : memref<200x128xi32, #tpu.memory_space<hbm>>) target(%arg5 : memref<200x128xi32, #tpu.memory_space<vmem>>) target_semaphore(%run_scoped3A : memref<!tpu.dma_semaphore, #tpu.memory_space<semaphore_mem>>)
      %dma_wait3A_135 = arith.constant 0 : i32
      %dma_wait3A_136 = tpu.memref_slice %arg3[%dma_wait3A_135, %mul3A_2] : memref<200x4096xi32, #tpu.memory_space<hbm>> -> memref<200x128xi32, #tpu.memory_space<hbm>>
      %dma_wait3A_137 = arith.constant 0 : i32
      %dma_wait3A_138 = tpu.memref_slice %arg3[%dma_wait3A_137, %mul3A_2] : memref<200x4096xi32, #tpu.memory_space<hbm>> -> memref<200x128xi32, #tpu.memory_space<hbm>>
      tpu.wait_dma2 semaphore(%run_scoped3A : memref<!tpu.dma_semaphore, #tpu.memory_space<semaphore_mem>>) src(%dma_wait3A_138 : memref<200x128xi32, #tpu.memory_space<hbm>>) dst(%arg5 : memref<200x128xi32, #tpu.memory_space<vmem>>)
      tpu.yield
    }) : () -> ()
    %dma_start3A = arith.constant 0 : i32
    %dma_start3A_3 = arith.constant 0 : i32
    %dma_start3A_4 = arith.constant 0 : i32
    %dma_start3A_5 = arith.constant 0 : i32
    %dma_start3A_6 = arith.constant 0 : i32
    %dma_start3A_7 = tpu.memref_slice %arg6[%dma_start3A_3, %dma_start3A_5, %dma_start3A_6] : memref<6x128x64xi32, #tpu.memory_space<vmem>> -> memref<1x128x64xi32, #tpu.memory_space<vmem>>
    %dma_start3A_8 = tpu.memref_squeeze %dma_start3A_7 : memref<1x128x64xi32, #tpu.memory_space<vmem>> -> memref<128x64xi32, #tpu.memory_space<vmem>>
    %dma_start3A_9 = arith.constant 0 : i32
    %dma_start3A_10 = tpu.memref_slice %arg5[%dma_start3A, %dma_start3A_9] : memref<200x128xi32, #tpu.memory_space<vmem>> -> memref<1x128xi32, #tpu.memory_space<vmem>>
    %dma_start3A_11 = tpu.memref_squeeze %dma_start3A_10 : memref<1x128xi32, #tpu.memory_space<vmem>> -> memref<128xi32, #tpu.memory_space<vmem>>
    %dma_start3A_12 = arith.constant 0 : i32
    %dma_start3A_13 = arith.constant 0 : i32
    %dma_start3A_14 = tpu.memref_slice %arg2[%dma_start3A_12, %dma_start3A_13] : memref<1000000x64xi32, #tpu.memory_space<hbm>> -> memref<1000000x64xi32, #tpu.memory_space<hbm>>
    %dma_start3A_15 = tpu.memref_slice %arg8[%dma_start3A_4] : memref<6x!tpu.dma_semaphore, #tpu.memory_space<semaphore_mem>> -> memref<1x!tpu.dma_semaphore, #tpu.memory_space<semaphore_mem>>
    %dma_start3A_16 = tpu.memref_squeeze %dma_start3A_15 : memref<1x!tpu.dma_semaphore, #tpu.memory_space<semaphore_mem>> -> memref<!tpu.dma_semaphore, #tpu.memory_space<semaphore_mem>>
    tpu.enqueue_indirect_dma source(%dma_start3A_14 : memref<1000000x64xi32, #tpu.memory_space<hbm>>) target(%dma_start3A_8 : memref<128x64xi32, #tpu.memory_space<vmem>>) offsets(%dma_start3A_11 : memref<128xi32, #tpu.memory_space<vmem>>) semaphore(%dma_start3A_16 : memref<!tpu.dma_semaphore, #tpu.memory_space<semaphore_mem>>)
    %dma_start3A_17 = arith.constant 1 : i32
    %dma_start3A_18 = arith.constant 1 : i32
    %dma_start3A_19 = arith.constant 1 : i32
    %dma_start3A_20 = arith.constant 0 : i32
    %dma_start3A_21 = arith.constant 0 : i32
    %dma_start3A_22 = tpu.memref_slice %arg6[%dma_start3A_18, %dma_start3A_20, %dma_start3A_21] : memref<6x128x64xi32, #tpu.memory_space<vmem>> -> memref<1x128x64xi32, #tpu.memory_space<vmem>>
    %dma_start3A_23 = tpu.memref_squeeze %dma_start3A_22 : memref<1x128x64xi32, #tpu.memory_space<vmem>> -> memref<128x64xi32, #tpu.memory_space<vmem>>
    %dma_start3A_24 = arith.constant 0 : i32
    %dma_start3A_25 = tpu.memref_slice %arg5[%dma_start3A_17, %dma_start3A_24] : memref<200x128xi32, #tpu.memory_space<vmem>> -> memref<1x128xi32, #tpu.memory_space<vmem>>
    %dma_start3A_26 = tpu.memref_squeeze %dma_start3A_25 : memref<1x128xi32, #tpu.memory_space<vmem>> -> memref<128xi32, #tpu.memory_space<vmem>>
    %dma_start3A_27 = arith.constant 0 : i32
    %dma_start3A_28 = arith.constant 0 : i32
    %dma_start3A_29 = tpu.memref_slice %arg2[%dma_start3A_27, %dma_start3A_28] : memref<1000000x64xi32, #tpu.memory_space<hbm>> -> memref<1000000x64xi32, #tpu.memory_space<hbm>>
    %dma_start3A_30 = tpu.memref_slice %arg8[%dma_start3A_19] : memref<6x!tpu.dma_semaphore, #tpu.memory_space<semaphore_mem>> -> memref<1x!tpu.dma_semaphore, #tpu.memory_space<semaphore_mem>>
    %dma_start3A_31 = tpu.memref_squeeze %dma_start3A_30 : memref<1x!tpu.dma_semaphore, #tpu.memory_space<semaphore_mem>> -> memref<!tpu.dma_semaphore, #tpu.memory_space<semaphore_mem>>
    tpu.enqueue_indirect_dma source(%dma_start3A_29 : memref<1000000x64xi32, #tpu.memory_space<hbm>>) target(%dma_start3A_23 : memref<128x64xi32, #tpu.memory_space<vmem>>) offsets(%dma_start3A_26 : memref<128xi32, #tpu.memory_space<vmem>>) semaphore(%dma_start3A_31 : memref<!tpu.dma_semaphore, #tpu.memory_space<semaphore_mem>>)
    %dma_start3A_32 = arith.constant 2 : i32
    %dma_start3A_33 = arith.constant 2 : i32
    %dma_start3A_34 = arith.constant 2 : i32
    %dma_start3A_35 = arith.constant 0 : i32
    %dma_start3A_36 = arith.constant 0 : i32
    %dma_start3A_37 = tpu.memref_slice %arg6[%dma_start3A_33, %dma_start3A_35, %dma_start3A_36] : memref<6x128x64xi32, #tpu.memory_space<vmem>> -> memref<1x128x64xi32, #tpu.memory_space<vmem>>
    %dma_start3A_38 = tpu.memref_squeeze %dma_start3A_37 : memref<1x128x64xi32, #tpu.memory_space<vmem>> -> memref<128x64xi32, #tpu.memory_space<vmem>>
    %dma_start3A_39 = arith.constant 0 : i32
    %dma_start3A_40 = tpu.memref_slice %arg5[%dma_start3A_32, %dma_start3A_39] : memref<200x128xi32, #tpu.memory_space<vmem>> -> memref<1x128xi32, #tpu.memory_space<vmem>>
    %dma_start3A_41 = tpu.memref_squeeze %dma_start3A_40 : memref<1x128xi32, #tpu.memory_space<vmem>> -> memref<128xi32, #tpu.memory_space<vmem>>
    %dma_start3A_42 = arith.constant 0 : i32
    %dma_start3A_43 = arith.constant 0 : i32
    %dma_start3A_44 = tpu.memref_slice %arg2[%dma_start3A_42, %dma_start3A_43] : memref<1000000x64xi32, #tpu.memory_space<hbm>> -> memref<1000000x64xi32, #tpu.memory_space<hbm>>
    %dma_start3A_45 = tpu.memref_slice %arg8[%dma_start3A_34] : memref<6x!tpu.dma_semaphore, #tpu.memory_space<semaphore_mem>> -> memref<1x!tpu.dma_semaphore, #tpu.memory_space<semaphore_mem>>
    %dma_start3A_46 = tpu.memref_squeeze %dma_start3A_45 : memref<1x!tpu.dma_semaphore, #tpu.memory_space<semaphore_mem>> -> memref<!tpu.dma_semaphore, #tpu.memory_space<semaphore_mem>>
    tpu.enqueue_indirect_dma source(%dma_start3A_44 : memref<1000000x64xi32, #tpu.memory_space<hbm>>) target(%dma_start3A_38 : memref<128x64xi32, #tpu.memory_space<vmem>>) offsets(%dma_start3A_41 : memref<128xi32, #tpu.memory_space<vmem>>) semaphore(%dma_start3A_46 : memref<!tpu.dma_semaphore, #tpu.memory_space<semaphore_mem>>)
    %dma_start3A_47 = arith.constant 3 : i32
    %dma_start3A_48 = arith.constant 3 : i32
    %dma_start3A_49 = arith.constant 3 : i32
    %dma_start3A_50 = arith.constant 0 : i32
    %dma_start3A_51 = arith.constant 0 : i32
    %dma_start3A_52 = tpu.memref_slice %arg6[%dma_start3A_48, %dma_start3A_50, %dma_start3A_51] : memref<6x128x64xi32, #tpu.memory_space<vmem>> -> memref<1x128x64xi32, #tpu.memory_space<vmem>>
    %dma_start3A_53 = tpu.memref_squeeze %dma_start3A_52 : memref<1x128x64xi32, #tpu.memory_space<vmem>> -> memref<128x64xi32, #tpu.memory_space<vmem>>
    %dma_start3A_54 = arith.constant 0 : i32
    %dma_start3A_55 = tpu.memref_slice %arg5[%dma_start3A_47, %dma_start3A_54] : memref<200x128xi32, #tpu.memory_space<vmem>> -> memref<1x128xi32, #tpu.memory_space<vmem>>
    %dma_start3A_56 = tpu.memref_squeeze %dma_start3A_55 : memref<1x128xi32, #tpu.memory_space<vmem>> -> memref<128xi32, #tpu.memory_space<vmem>>
    %dma_start3A_57 = arith.constant 0 : i32
    %dma_start3A_58 = arith.constant 0 : i32
    %dma_start3A_59 = tpu.memref_slice %arg2[%dma_start3A_57, %dma_start3A_58] : memref<1000000x64xi32, #tpu.memory_space<hbm>> -> memref<1000000x64xi32, #tpu.memory_space<hbm>>
    %dma_start3A_60 = tpu.memref_slice %arg8[%dma_start3A_49] : memref<6x!tpu.dma_semaphore, #tpu.memory_space<semaphore_mem>> -> memref<1x!tpu.dma_semaphore, #tpu.memory_space<semaphore_mem>>
    %dma_start3A_61 = tpu.memref_squeeze %dma_start3A_60 : memref<1x!tpu.dma_semaphore, #tpu.memory_space<semaphore_mem>> -> memref<!tpu.dma_semaphore, #tpu.memory_space<semaphore_mem>>
    tpu.enqueue_indirect_dma source(%dma_start3A_59 : memref<1000000x64xi32, #tpu.memory_space<hbm>>) target(%dma_start3A_53 : memref<128x64xi32, #tpu.memory_space<vmem>>) offsets(%dma_start3A_56 : memref<128xi32, #tpu.memory_space<vmem>>) semaphore(%dma_start3A_61 : memref<!tpu.dma_semaphore, #tpu.memory_space<semaphore_mem>>)
    %dma_start3A_62 = arith.constant 4 : i32
    %dma_start3A_63 = arith.constant 4 : i32
    %dma_start3A_64 = arith.constant 4 : i32
    %dma_start3A_65 = arith.constant 0 : i32
    %dma_start3A_66 = arith.constant 0 : i32
    %dma_start3A_67 = tpu.memref_slice %arg6[%dma_start3A_63, %dma_start3A_65, %dma_start3A_66] : memref<6x128x64xi32, #tpu.memory_space<vmem>> -> memref<1x128x64xi32, #tpu.memory_space<vmem>>
    %dma_start3A_68 = tpu.memref_squeeze %dma_start3A_67 : memref<1x128x64xi32, #tpu.memory_space<vmem>> -> memref<128x64xi32, #tpu.memory_space<vmem>>
    %dma_start3A_69 = arith.constant 0 : i32
    %dma_start3A_70 = tpu.memref_slice %arg5[%dma_start3A_62, %dma_start3A_69] : memref<200x128xi32, #tpu.memory_space<vmem>> -> memref<1x128xi32, #tpu.memory_space<vmem>>
    %dma_start3A_71 = tpu.memref_squeeze %dma_start3A_70 : memref<1x128xi32, #tpu.memory_space<vmem>> -> memref<128xi32, #tpu.memory_space<vmem>>
    %dma_start3A_72 = arith.constant 0 : i32
    %dma_start3A_73 = arith.constant 0 : i32
    %dma_start3A_74 = tpu.memref_slice %arg2[%dma_start3A_72, %dma_start3A_73] : memref<1000000x64xi32, #tpu.memory_space<hbm>> -> memref<1000000x64xi32, #tpu.memory_space<hbm>>
    %dma_start3A_75 = tpu.memref_slice %arg8[%dma_start3A_64] : memref<6x!tpu.dma_semaphore, #tpu.memory_space<semaphore_mem>> -> memref<1x!tpu.dma_semaphore, #tpu.memory_space<semaphore_mem>>
    %dma_start3A_76 = tpu.memref_squeeze %dma_start3A_75 : memref<1x!tpu.dma_semaphore, #tpu.memory_space<semaphore_mem>> -> memref<!tpu.dma_semaphore, #tpu.memory_space<semaphore_mem>>
    tpu.enqueue_indirect_dma source(%dma_start3A_74 : memref<1000000x64xi32, #tpu.memory_space<hbm>>) target(%dma_start3A_68 : memref<128x64xi32, #tpu.memory_space<vmem>>) offsets(%dma_start3A_71 : memref<128xi32, #tpu.memory_space<vmem>>) semaphore(%dma_start3A_76 : memref<!tpu.dma_semaphore, #tpu.memory_space<semaphore_mem>>)
    %scan3A = arith.constant 0 : i32
    %scan3A_77 = arith.constant 200 : i32
    %scan3A_78 = arith.addi %scan3A, %scan3A_77 : i32
    %scan3A_79 = arith.constant 1 : i32
    scf.for %scan3A_131 = %scan3A to %scan3A_78 step %scan3A_79  : i32 {
      %mul3A_132 = arith.constant 1 : i32
      %mul3A_133 = arith.muli %scan3A_131, %mul3A_132 : i32
      %add3A_134 = arith.constant 0 : i32
      %add3A_135 = arith.addi %add3A_134, %mul3A_133 : i32
      %rem3A_136 = arith.constant 6 : i32
      %rem3A_137 = arith.remsi %add3A_135, %rem3A_136 : i32
      %rem3A_138 = arith.constant 2 : i32
      %rem3A_139 = arith.remsi %add3A_135, %rem3A_138 : i32
      %add3A_140 = arith.constant 6 : i32
      %add3A_141 = arith.addi %add3A_135, %add3A_140 : i32
      %sub3A = arith.constant 1 : i32
      %sub3A_142 = arith.subi %add3A_141, %sub3A : i32
      %lt3A = arith.constant 200 : i32
      %lt3A_143 = arith.cmpi slt, %sub3A_142, %lt3A : i32
      %convert_element_type3A = arith.extui %lt3A_143 : i1 to i32
      %cond3A = arith.constant 0 : i32
      %cond3A_144 = arith.cmpi ne, %convert_element_type3A, %cond3A : i32
      scf.if %cond3A_144 {
        %add3A_188 = arith.constant 6 : i32
        %add3A_189 = arith.addi %add3A_135, %add3A_188 : i32
        %sub3A_190 = arith.constant 1 : i32
        %sub3A_191 = arith.subi %add3A_189, %sub3A_190 : i32
        %add3A_192 = arith.constant 6 : i32
        %add3A_193 = arith.addi %add3A_135, %add3A_192 : i32
        %sub3A_194 = arith.constant 1 : i32
        %sub3A_195 = arith.subi %add3A_193, %sub3A_194 : i32
        %rem3A_196 = arith.constant 6 : i32
        %rem3A_197 = arith.remsi %sub3A_195, %rem3A_196 : i32
        %dma_start3A_198 = arith.constant 0 : i32
        %dma_start3A_199 = arith.constant 0 : i32
        %dma_start3A_200 = tpu.memref_slice %arg6[%rem3A_197, %dma_start3A_198, %dma_start3A_199] : memref<6x128x64xi32, #tpu.memory_space<vmem>> -> memref<1x128x64xi32, #tpu.memory_space<vmem>>
        %dma_start3A_201 = tpu.memref_squeeze %dma_start3A_200 : memref<1x128x64xi32, #tpu.memory_space<vmem>> -> memref<128x64xi32, #tpu.memory_space<vmem>>
        %dma_start3A_202 = arith.constant 0 : i32
        %dma_start3A_203 = tpu.memref_slice %arg5[%sub3A_191, %dma_start3A_202] : memref<200x128xi32, #tpu.memory_space<vmem>> -> memref<1x128xi32, #tpu.memory_space<vmem>>
        %dma_start3A_204 = tpu.memref_squeeze %dma_start3A_203 : memref<1x128xi32, #tpu.memory_space<vmem>> -> memref<128xi32, #tpu.memory_space<vmem>>
        %dma_start3A_205 = arith.constant 0 : i32
        %dma_start3A_206 = arith.constant 0 : i32
        %dma_start3A_207 = tpu.memref_slice %arg2[%dma_start3A_205, %dma_start3A_206] : memref<1000000x64xi32, #tpu.memory_space<hbm>> -> memref<1000000x64xi32, #tpu.memory_space<hbm>>
        %dma_start3A_208 = tpu.memref_slice %arg8[%rem3A_197] : memref<6x!tpu.dma_semaphore, #tpu.memory_space<semaphore_mem>> -> memref<1x!tpu.dma_semaphore, #tpu.memory_space<semaphore_mem>>
        %dma_start3A_209 = tpu.memref_squeeze %dma_start3A_208 : memref<1x!tpu.dma_semaphore, #tpu.memory_space<semaphore_mem>> -> memref<!tpu.dma_semaphore, #tpu.memory_space<semaphore_mem>>
        tpu.enqueue_indirect_dma source(%dma_start3A_207 : memref<1000000x64xi32, #tpu.memory_space<hbm>>) target(%dma_start3A_201 : memref<128x64xi32, #tpu.memory_space<vmem>>) offsets(%dma_start3A_204 : memref<128xi32, #tpu.memory_space<vmem>>) semaphore(%dma_start3A_209 : memref<!tpu.dma_semaphore, #tpu.memory_space<semaphore_mem>>)
      } else {
      }
      %dma_wait3A_145 = arith.constant 0 : i32
      %dma_wait3A_146 = arith.constant 0 : i32
      %dma_wait3A_147 = tpu.memref_slice %arg6[%rem3A_137, %dma_wait3A_145, %dma_wait3A_146] : memref<6x128x64xi32, #tpu.memory_space<vmem>> -> memref<1x128x64xi32, #tpu.memory_space<vmem>>
      %dma_wait3A_148 = tpu.memref_squeeze %dma_wait3A_147 : memref<1x128x64xi32, #tpu.memory_space<vmem>> -> memref<128x64xi32, #tpu.memory_space<vmem>>
      %dma_wait3A_149 = arith.constant 0 : i32
      %dma_wait3A_150 = tpu.memref_slice %arg5[%add3A_135, %dma_wait3A_149] : memref<200x128xi32, #tpu.memory_space<vmem>> -> memref<1x128xi32, #tpu.memory_space<vmem>>
      %dma_wait3A_151 = tpu.memref_squeeze %dma_wait3A_150 : memref<1x128xi32, #tpu.memory_space<vmem>> -> memref<128xi32, #tpu.memory_space<vmem>>
      %dma_wait3A_152 = arith.constant 0 : i32
      %dma_wait3A_153 = arith.constant 0 : i32
      %dma_wait3A_154 = tpu.memref_slice %arg2[%dma_wait3A_152, %dma_wait3A_153] : memref<1000000x64xi32, #tpu.memory_space<hbm>> -> memref<1000000x64xi32, #tpu.memory_space<hbm>>
      %dma_wait3A_155 = tpu.memref_slice %arg8[%rem3A_137] : memref<6x!tpu.dma_semaphore, #tpu.memory_space<semaphore_mem>> -> memref<1x!tpu.dma_semaphore, #tpu.memory_space<semaphore_mem>>
      %dma_wait3A_156 = tpu.memref_squeeze %dma_wait3A_155 : memref<1x!tpu.dma_semaphore, #tpu.memory_space<semaphore_mem>> -> memref<!tpu.dma_semaphore, #tpu.memory_space<semaphore_mem>>
      tpu.wait_indirect_dma semaphore(%dma_wait3A_156 : memref<!tpu.dma_semaphore, #tpu.memory_space<semaphore_mem>>) src(%dma_wait3A_154 : memref<1000000x64xi32, #tpu.memory_space<hbm>>) dst(%dma_wait3A_148 : memref<128x64xi32, #tpu.memory_space<vmem>>)
      %ge3A = arith.constant 2 : i32
      %ge3A_157 = arith.cmpi sge, %add3A_135, %ge3A : i32
      %convert_element_type3A_158 = arith.extui %ge3A_157 : i1 to i32
      %cond3A_159 = arith.constant 0 : i32
      %cond3A_160 = arith.cmpi ne, %convert_element_type3A_158, %cond3A_159 : i32
      scf.if %cond3A_160 {
        %sub3A_188 = arith.constant 2 : i32
        %sub3A_189 = arith.subi %add3A_135, %sub3A_188 : i32
        %dma_wait3A_190 = arith.constant 0 : i32
        %dma_wait3A_191 = arith.constant 0 : i32
        %dma_wait3A_192 = arith.constant 0 : i32
        %dma_wait3A_193 = tpu.memref_slice %arg7[%rem3A_139, %dma_wait3A_190, %dma_wait3A_191, %dma_wait3A_192] : memref<2x8x8x128xf32, #tpu.memory_space<vmem>> -> memref<1x8x8x128xf32, #tpu.memory_space<vmem>>
        %dma_wait3A_194 = tpu.memref_squeeze %dma_wait3A_193 : memref<1x8x8x128xf32, #tpu.memory_space<vmem>> -> memref<8x8x128xf32, #tpu.memory_space<vmem>>
        %dma_wait3A_195 = arith.constant 0 : i32
        %dma_wait3A_196 = arith.constant 0 : i32
        %dma_wait3A_197 = arith.constant 0 : i32
        %dma_wait3A_198 = tpu.memref_slice %arg4[%sub3A_189, %dma_wait3A_195, %add3A, %dma_wait3A_196, %dma_wait3A_197] : memref<200x8x32x8x128xf32, #tpu.memory_space<hbm>> -> memref<1x8x1x8x128xf32, #tpu.memory_space<hbm>>
        %dma_wait3A_199 = tpu.memref_squeeze %dma_wait3A_198 : memref<1x8x1x8x128xf32, #tpu.memory_space<hbm>> -> memref<8x8x128xf32, #tpu.memory_space<hbm>>
        %dma_wait3A_200 = tpu.memref_slice %arg9[%rem3A_139] : memref<2x!tpu.dma_semaphore, #tpu.memory_space<semaphore_mem>> -> memref<1x!tpu.dma_semaphore, #tpu.memory_space<semaphore_mem>>
        %dma_wait3A_201 = tpu.memref_squeeze %dma_wait3A_200 : memref<1x!tpu.dma_semaphore, #tpu.memory_space<semaphore_mem>> -> memref<!tpu.dma_semaphore, #tpu.memory_space<semaphore_mem>>
        %dma_wait3A_202 = arith.constant 0 : i32
        %dma_wait3A_203 = arith.constant 0 : i32
        %dma_wait3A_204 = arith.constant 0 : i32
        %dma_wait3A_205 = tpu.memref_slice %arg4[%sub3A_189, %dma_wait3A_202, %add3A, %dma_wait3A_203, %dma_wait3A_204] : memref<200x8x32x8x128xf32, #tpu.memory_space<hbm>> -> memref<1x8x1x8x128xf32, #tpu.memory_space<hbm>>
        %dma_wait3A_206 = tpu.memref_squeeze %dma_wait3A_205 : memref<1x8x1x8x128xf32, #tpu.memory_space<hbm>> -> memref<8x8x128xf32, #tpu.memory_space<hbm>>
        %dma_wait3A_207 = arith.constant 0 : i32
        %dma_wait3A_208 = arith.constant 0 : i32
        %dma_wait3A_209 = arith.constant 0 : i32
        %dma_wait3A_210 = tpu.memref_slice %arg7[%rem3A_139, %dma_wait3A_207, %dma_wait3A_208, %dma_wait3A_209] : memref<2x8x8x128xf32, #tpu.memory_space<vmem>> -> memref<1x8x8x128xf32, #tpu.memory_space<vmem>>
        %dma_wait3A_211 = tpu.memref_squeeze %dma_wait3A_210 : memref<1x8x8x128xf32, #tpu.memory_space<vmem>> -> memref<8x8x128xf32, #tpu.memory_space<vmem>>
        tpu.wait_dma2 semaphore(%dma_wait3A_201 : memref<!tpu.dma_semaphore, #tpu.memory_space<semaphore_mem>>) src(%dma_wait3A_211 : memref<8x8x128xf32, #tpu.memory_space<vmem>>) dst(%dma_wait3A_206 : memref<8x8x128xf32, #tpu.memory_space<hbm>>)
      } else {
      }
      %scan3A_161 = arith.constant 0 : i32
      %scan3A_162 = arith.constant 16 : i32
      %scan3A_163 = arith.addi %scan3A_161, %scan3A_162 : i32
      %scan3A_164 = arith.constant 1 : i32
      scf.for %scan3A_188 = %scan3A_161 to %scan3A_163 step %scan3A_164  : i32 {
        %mul3A_189 = arith.constant 1 : i32
        %mul3A_190 = arith.muli %scan3A_188, %mul3A_189 : i32
        %add3A_191 = arith.constant 0 : i32
        %add3A_192 = arith.addi %add3A_191, %mul3A_190 : i32
        %iota3A = tpu.iota {dimensions = array<i32: 0>} : vector<16xi32>
        %add3A_193 = vector.broadcast %add3A_192 : i32 to vector<16xi32>
        %add3A_194 = arith.addi %iota3A, %add3A_193 : vector<16xi32>
        %and3A = arith.constant 15 : i32
        %and3A_195 = vector.broadcast %and3A : i32 to vector<16xi32>
        %and3A_196 = arith.andi %add3A_194, %and3A_195 : vector<16xi32>
        %add3A_197 = arith.constant 0 : i32
        %add3A_198 = vector.broadcast %add3A_197 : i32 to vector<16xi32>
        %add3A_199 = arith.addi %add3A_198, %and3A_196 : vector<16xi32>
        %shift_right_logical3A = arith.constant 3 : i32
        %shift_right_logical3A_200 = vector.broadcast %shift_right_logical3A : i32 to vector<16xi32>
        %shift_right_logical3A_201 = arith.shrui %add3A_199, %shift_right_logical3A_200 : vector<16xi32>
        %and3A_202 = arith.constant 7 : i32
        %and3A_203 = vector.broadcast %and3A_202 : i32 to vector<16xi32>
        %and3A_204 = arith.andi %add3A_199, %and3A_203 : vector<16xi32>
        %iota3A_205 = tpu.iota {dimensions = array<i32: 0>} : vector<16xi32>
        %add3A_206 = arith.constant 0 : i32
        %add3A_207 = vector.broadcast %add3A_206 : i32 to vector<16xi32>
        %add3A_208 = arith.addi %add3A_207, %iota3A_205 : vector<16xi32>
        %iota3A_209 = tpu.iota {dimensions = array<i32: 0>} : vector<16xi32>
        %add3A_210 = arith.constant 16 : i32
        %add3A_211 = vector.broadcast %add3A_210 : i32 to vector<16xi32>
        %add3A_212 = arith.addi %add3A_211, %iota3A_209 : vector<16xi32>
        %iota3A_213 = tpu.iota {dimensions = array<i32: 0>} : vector<16xi32>
        %add3A_214 = arith.constant 32 : i32
        %add3A_215 = vector.broadcast %add3A_214 : i32 to vector<16xi32>
        %add3A_216 = arith.addi %add3A_215, %iota3A_213 : vector<16xi32>
        %iota3A_217 = tpu.iota {dimensions = array<i32: 0>} : vector<16xi32>
        %add3A_218 = arith.constant 48 : i32
        %add3A_219 = vector.broadcast %add3A_218 : i32 to vector<16xi32>
        %add3A_220 = arith.addi %add3A_219, %iota3A_217 : vector<16xi32>
        %iota3A_221 = tpu.iota {dimensions = array<i32: 0>} : vector<16xi32>
        %add3A_222 = arith.constant 64 : i32
        %add3A_223 = vector.broadcast %add3A_222 : i32 to vector<16xi32>
        %add3A_224 = arith.addi %add3A_223, %iota3A_221 : vector<16xi32>
        %iota3A_225 = tpu.iota {dimensions = array<i32: 0>} : vector<16xi32>
        %add3A_226 = arith.constant 80 : i32
        %add3A_227 = vector.broadcast %add3A_226 : i32 to vector<16xi32>
        %add3A_228 = arith.addi %add3A_227, %iota3A_225 : vector<16xi32>
        %iota3A_229 = tpu.iota {dimensions = array<i32: 0>} : vector<16xi32>
        %add3A_230 = arith.constant 96 : i32
        %add3A_231 = vector.broadcast %add3A_230 : i32 to vector<16xi32>
        %add3A_232 = arith.addi %add3A_231, %iota3A_229 : vector<16xi32>
        %iota3A_233 = tpu.iota {dimensions = array<i32: 0>} : vector<16xi32>
        %add3A_234 = arith.constant 112 : i32
        %add3A_235 = vector.broadcast %add3A_234 : i32 to vector<16xi32>
        %add3A_236 = arith.addi %add3A_235, %iota3A_233 : vector<16xi32>
        %gather3A = arith.constant 0 : i32
        %gather3A_237 = arith.constant 0 : i32
        %gather3A_238 = tpu.memref_slice %arg6[%rem3A_137, %gather3A, %gather3A_237] : memref<6x128x64xi32, #tpu.memory_space<vmem>> -> memref<1x128x64xi32, #tpu.memory_space<vmem>>
        %gather3A_239 = tpu.memref_squeeze %gather3A_238 : memref<1x128x64xi32, #tpu.memory_space<vmem>> -> memref<128x64xi32, #tpu.memory_space<vmem>>
        %gather3A_240 = tpu.vector_load_idx %gather3A_239[%add3A_208, %add3A_199] : memref<128x64xi32, #tpu.memory_space<vmem>>[vector<16xi32>, vector<16xi32>], vector<16xi32>,
        %gather3A_241 = arith.constant 0 : i32
        %gather3A_242 = arith.constant 0 : i32
        %gather3A_243 = tpu.memref_slice %arg6[%rem3A_137, %gather3A_241, %gather3A_242] : memref<6x128x64xi32, #tpu.memory_space<vmem>> -> memref<1x128x64xi32, #tpu.memory_space<vmem>>
        %gather3A_244 = tpu.memref_squeeze %gather3A_243 : memref<1x128x64xi32, #tpu.memory_space<vmem>> -> memref<128x64xi32, #tpu.memory_space<vmem>>
        %gather3A_245 = tpu.vector_load_idx %gather3A_244[%add3A_212, %add3A_199] : memref<128x64xi32, #tpu.memory_space<vmem>>[vector<16xi32>, vector<16xi32>], vector<16xi32>,
        %gather3A_246 = arith.constant 0 : i32
        %gather3A_247 = arith.constant 0 : i32
        %gather3A_248 = tpu.memref_slice %arg6[%rem3A_137, %gather3A_246, %gather3A_247] : memref<6x128x64xi32, #tpu.memory_space<vmem>> -> memref<1x128x64xi32, #tpu.memory_space<vmem>>
        %gather3A_249 = tpu.memref_squeeze %gather3A_248 : memref<1x128x64xi32, #tpu.memory_space<vmem>> -> memref<128x64xi32, #tpu.memory_space<vmem>>
        %gather3A_250 = tpu.vector_load_idx %gather3A_249[%add3A_216, %add3A_199] : memref<128x64xi32, #tpu.memory_space<vmem>>[vector<16xi32>, vector<16xi32>], vector<16xi32>,
        %gather3A_251 = arith.constant 0 : i32
        %gather3A_252 = arith.constant 0 : i32
        %gather3A_253 = tpu.memref_slice %arg6[%rem3A_137, %gather3A_251, %gather3A_252] : memref<6x128x64xi32, #tpu.memory_space<vmem>> -> memref<1x128x64xi32, #tpu.memory_space<vmem>>
        %gather3A_254 = tpu.memref_squeeze %gather3A_253 : memref<1x128x64xi32, #tpu.memory_space<vmem>> -> memref<128x64xi32, #tpu.memory_space<vmem>>
        %gather3A_255 = tpu.vector_load_idx %gather3A_254[%add3A_220, %add3A_199] : memref<128x64xi32, #tpu.memory_space<vmem>>[vector<16xi32>, vector<16xi32>], vector<16xi32>,
        %gather3A_256 = arith.constant 0 : i32
        %gather3A_257 = arith.constant 0 : i32
        %gather3A_258 = tpu.memref_slice %arg6[%rem3A_137, %gather3A_256, %gather3A_257] : memref<6x128x64xi32, #tpu.memory_space<vmem>> -> memref<1x128x64xi32, #tpu.memory_space<vmem>>
        %gather3A_259 = tpu.memref_squeeze %gather3A_258 : memref<1x128x64xi32, #tpu.memory_space<vmem>> -> memref<128x64xi32, #tpu.memory_space<vmem>>
        %gather3A_260 = tpu.vector_load_idx %gather3A_259[%add3A_224, %add3A_199] : memref<128x64xi32, #tpu.memory_space<vmem>>[vector<16xi32>, vector<16xi32>], vector<16xi32>,
        %gather3A_261 = arith.constant 0 : i32
        %gather3A_262 = arith.constant 0 : i32
        %gather3A_263 = tpu.memref_slice %arg6[%rem3A_137, %gather3A_261, %gather3A_262] : memref<6x128x64xi32, #tpu.memory_space<vmem>> -> memref<1x128x64xi32, #tpu.memory_space<vmem>>
        %gather3A_264 = tpu.memref_squeeze %gather3A_263 : memref<1x128x64xi32, #tpu.memory_space<vmem>> -> memref<128x64xi32, #tpu.memory_space<vmem>>
        %gather3A_265 = tpu.vector_load_idx %gather3A_264[%add3A_228, %add3A_199] : memref<128x64xi32, #tpu.memory_space<vmem>>[vector<16xi32>, vector<16xi32>], vector<16xi32>,
        %gather3A_266 = arith.constant 0 : i32
        %gather3A_267 = arith.constant 0 : i32
        %gather3A_268 = tpu.memref_slice %arg6[%rem3A_137, %gather3A_266, %gather3A_267] : memref<6x128x64xi32, #tpu.memory_space<vmem>> -> memref<1x128x64xi32, #tpu.memory_space<vmem>>
        %gather3A_269 = tpu.memref_squeeze %gather3A_268 : memref<1x128x64xi32, #tpu.memory_space<vmem>> -> memref<128x64xi32, #tpu.memory_space<vmem>>
        %gather3A_270 = tpu.vector_load_idx %gather3A_269[%add3A_232, %add3A_199] : memref<128x64xi32, #tpu.memory_space<vmem>>[vector<16xi32>, vector<16xi32>], vector<16xi32>,
        %gather3A_271 = arith.constant 0 : i32
        %gather3A_272 = arith.constant 0 : i32
        %gather3A_273 = tpu.memref_slice %arg6[%rem3A_137, %gather3A_271, %gather3A_272] : memref<6x128x64xi32, #tpu.memory_space<vmem>> -> memref<1x128x64xi32, #tpu.memory_space<vmem>>
        %gather3A_274 = tpu.memref_squeeze %gather3A_273 : memref<1x128x64xi32, #tpu.memory_space<vmem>> -> memref<128x64xi32, #tpu.memory_space<vmem>>
        %gather3A_275 = tpu.vector_load_idx %gather3A_274[%add3A_236, %add3A_199] : memref<128x64xi32, #tpu.memory_space<vmem>>[vector<16xi32>, vector<16xi32>], vector<16xi32>,
        %bitcast_convert_type3A = tpu.bitcast %gather3A_240 : vector<16xi32> -> vector<16xf32>
        %scatter3A = arith.constant 0 : i32
        %scatter3A_276 = arith.constant 0 : i32
        %scatter3A_277 = arith.constant 0 : i32
        %scatter3A_278 = tpu.memref_slice %arg7[%rem3A_139, %scatter3A, %scatter3A_276, %scatter3A_277] : memref<2x8x8x128xf32, #tpu.memory_space<vmem>> -> memref<1x8x8x128xf32, #tpu.memory_space<vmem>>
        %scatter3A_279 = tpu.memref_squeeze %scatter3A_278 : memref<1x8x8x128xf32, #tpu.memory_space<vmem>> -> memref<8x8x128xf32, #tpu.memory_space<vmem>>
        tpu.vector_store_idx %scatter3A_279[%shift_right_logical3A_201, %and3A_204, %add3A_208], %bitcast_convert_type3A : memref<8x8x128xf32, #tpu.memory_space<vmem>>[vector<16xi32>, vector<16xi32>, vector<16xi32>], vector<16xf32>,
        %bitcast_convert_type3A_280 = tpu.bitcast %gather3A_245 : vector<16xi32> -> vector<16xf32>
        %scatter3A_281 = arith.constant 0 : i32
        %scatter3A_282 = arith.constant 0 : i32
        %scatter3A_283 = arith.constant 0 : i32
        %scatter3A_284 = tpu.memref_slice %arg7[%rem3A_139, %scatter3A_281, %scatter3A_282, %scatter3A_283] : memref<2x8x8x128xf32, #tpu.memory_space<vmem>> -> memref<1x8x8x128xf32, #tpu.memory_space<vmem>>
        %scatter3A_285 = tpu.memref_squeeze %scatter3A_284 : memref<1x8x8x128xf32, #tpu.memory_space<vmem>> -> memref<8x8x128xf32, #tpu.memory_space<vmem>>
        tpu.vector_store_idx %scatter3A_285[%shift_right_logical3A_201, %and3A_204, %add3A_212], %bitcast_convert_type3A_280 : memref<8x8x128xf32, #tpu.memory_space<vmem>>[vector<16xi32>, vector<16xi32>, vector<16xi32>], vector<16xf32>,
        %bitcast_convert_type3A_286 = tpu.bitcast %gather3A_250 : vector<16xi32> -> vector<16xf32>
        %scatter3A_287 = arith.constant 0 : i32
        %scatter3A_288 = arith.constant 0 : i32
        %scatter3A_289 = arith.constant 0 : i32
        %scatter3A_290 = tpu.memref_slice %arg7[%rem3A_139, %scatter3A_287, %scatter3A_288, %scatter3A_289] : memref<2x8x8x128xf32, #tpu.memory_space<vmem>> -> memref<1x8x8x128xf32, #tpu.memory_space<vmem>>
        %scatter3A_291 = tpu.memref_squeeze %scatter3A_290 : memref<1x8x8x128xf32, #tpu.memory_space<vmem>> -> memref<8x8x128xf32, #tpu.memory_space<vmem>>
        tpu.vector_store_idx %scatter3A_291[%shift_right_logical3A_201, %and3A_204, %add3A_216], %bitcast_convert_type3A_286 : memref<8x8x128xf32, #tpu.memory_space<vmem>>[vector<16xi32>, vector<16xi32>, vector<16xi32>], vector<16xf32>,
        %bitcast_convert_type3A_292 = tpu.bitcast %gather3A_255 : vector<16xi32> -> vector<16xf32>
        %scatter3A_293 = arith.constant 0 : i32
        %scatter3A_294 = arith.constant 0 : i32
        %scatter3A_295 = arith.constant 0 : i32
        %scatter3A_296 = tpu.memref_slice %arg7[%rem3A_139, %scatter3A_293, %scatter3A_294, %scatter3A_295] : memref<2x8x8x128xf32, #tpu.memory_space<vmem>> -> memref<1x8x8x128xf32, #tpu.memory_space<vmem>>
        %scatter3A_297 = tpu.memref_squeeze %scatter3A_296 : memref<1x8x8x128xf32, #tpu.memory_space<vmem>> -> memref<8x8x128xf32, #tpu.memory_space<vmem>>
        tpu.vector_store_idx %scatter3A_297[%shift_right_logical3A_201, %and3A_204, %add3A_220], %bitcast_convert_type3A_292 : memref<8x8x128xf32, #tpu.memory_space<vmem>>[vector<16xi32>, vector<16xi32>, vector<16xi32>], vector<16xf32>,
        %bitcast_convert_type3A_298 = tpu.bitcast %gather3A_260 : vector<16xi32> -> vector<16xf32>
        %scatter3A_299 = arith.constant 0 : i32
        %scatter3A_300 = arith.constant 0 : i32
        %scatter3A_301 = arith.constant 0 : i32
        %scatter3A_302 = tpu.memref_slice %arg7[%rem3A_139, %scatter3A_299, %scatter3A_300, %scatter3A_301] : memref<2x8x8x128xf32, #tpu.memory_space<vmem>> -> memref<1x8x8x128xf32, #tpu.memory_space<vmem>>
        %scatter3A_303 = tpu.memref_squeeze %scatter3A_302 : memref<1x8x8x128xf32, #tpu.memory_space<vmem>> -> memref<8x8x128xf32, #tpu.memory_space<vmem>>
        tpu.vector_store_idx %scatter3A_303[%shift_right_logical3A_201, %and3A_204, %add3A_224], %bitcast_convert_type3A_298 : memref<8x8x128xf32, #tpu.memory_space<vmem>>[vector<16xi32>, vector<16xi32>, vector<16xi32>], vector<16xf32>,
        %bitcast_convert_type3A_304 = tpu.bitcast %gather3A_265 : vector<16xi32> -> vector<16xf32>
        %scatter3A_305 = arith.constant 0 : i32
        %scatter3A_306 = arith.constant 0 : i32
        %scatter3A_307 = arith.constant 0 : i32
        %scatter3A_308 = tpu.memref_slice %arg7[%rem3A_139, %scatter3A_305, %scatter3A_306, %scatter3A_307] : memref<2x8x8x128xf32, #tpu.memory_space<vmem>> -> memref<1x8x8x128xf32, #tpu.memory_space<vmem>>
        %scatter3A_309 = tpu.memref_squeeze %scatter3A_308 : memref<1x8x8x128xf32, #tpu.memory_space<vmem>> -> memref<8x8x128xf32, #tpu.memory_space<vmem>>
        tpu.vector_store_idx %scatter3A_309[%shift_right_logical3A_201, %and3A_204, %add3A_228], %bitcast_convert_type3A_304 : memref<8x8x128xf32, #tpu.memory_space<vmem>>[vector<16xi32>, vector<16xi32>, vector<16xi32>], vector<16xf32>,
        %bitcast_convert_type3A_310 = tpu.bitcast %gather3A_270 : vector<16xi32> -> vector<16xf32>
        %scatter3A_311 = arith.constant 0 : i32
        %scatter3A_312 = arith.constant 0 : i32
        %scatter3A_313 = arith.constant 0 : i32
        %scatter3A_314 = tpu.memref_slice %arg7[%rem3A_139, %scatter3A_311, %scatter3A_312, %scatter3A_313] : memref<2x8x8x128xf32, #tpu.memory_space<vmem>> -> memref<1x8x8x128xf32, #tpu.memory_space<vmem>>
        %scatter3A_315 = tpu.memref_squeeze %scatter3A_314 : memref<1x8x8x128xf32, #tpu.memory_space<vmem>> -> memref<8x8x128xf32, #tpu.memory_space<vmem>>
        tpu.vector_store_idx %scatter3A_315[%shift_right_logical3A_201, %and3A_204, %add3A_232], %bitcast_convert_type3A_310 : memref<8x8x128xf32, #tpu.memory_space<vmem>>[vector<16xi32>, vector<16xi32>, vector<16xi32>], vector<16xf32>,
        %bitcast_convert_type3A_316 = tpu.bitcast %gather3A_275 : vector<16xi32> -> vector<16xf32>
        %scatter3A_317 = arith.constant 0 : i32
        %scatter3A_318 = arith.constant 0 : i32
        %scatter3A_319 = arith.constant 0 : i32
        %scatter3A_320 = tpu.memref_slice %arg7[%rem3A_139, %scatter3A_317, %scatter3A_318, %scatter3A_319] : memref<2x8x8x128xf32, #tpu.memory_space<vmem>> -> memref<1x8x8x128xf32, #tpu.memory_space<vmem>>
        %scatter3A_321 = tpu.memref_squeeze %scatter3A_320 : memref<1x8x8x128xf32, #tpu.memory_space<vmem>> -> memref<8x8x128xf32, #tpu.memory_space<vmem>>
        tpu.vector_store_idx %scatter3A_321[%shift_right_logical3A_201, %and3A_204, %add3A_236], %bitcast_convert_type3A_316 : memref<8x8x128xf32, #tpu.memory_space<vmem>>[vector<16xi32>, vector<16xi32>, vector<16xi32>], vector<16xf32>,
        %add3A_322 = arith.constant 16 : i32
        %add3A_323 = vector.broadcast %add3A_322 : i32 to vector<16xi32>
        %add3A_324 = arith.addi %add3A_323, %and3A_196 : vector<16xi32>
        %shift_right_logical3A_325 = arith.constant 3 : i32
        %shift_right_logical3A_326 = vector.broadcast %shift_right_logical3A_325 : i32 to vector<16xi32>
        %shift_right_logical3A_327 = arith.shrui %add3A_324, %shift_right_logical3A_326 : vector<16xi32>
        %and3A_328 = arith.constant 7 : i32
        %and3A_329 = vector.broadcast %and3A_328 : i32 to vector<16xi32>
        %and3A_330 = arith.andi %add3A_324, %and3A_329 : vector<16xi32>
        %iota3A_331 = tpu.iota {dimensions = array<i32: 0>} : vector<16xi32>
        %add3A_332 = arith.constant 0 : i32
        %add3A_333 = vector.broadcast %add3A_332 : i32 to vector<16xi32>
        %add3A_334 = arith.addi %add3A_333, %iota3A_331 : vector<16xi32>
        %iota3A_335 = tpu.iota {dimensions = array<i32: 0>} : vector<16xi32>
        %add3A_336 = arith.constant 16 : i32
        %add3A_337 = vector.broadcast %add3A_336 : i32 to vector<16xi32>
        %add3A_338 = arith.addi %add3A_337, %iota3A_335 : vector<16xi32>
        %iota3A_339 = tpu.iota {dimensions = array<i32: 0>} : vector<16xi32>
        %add3A_340 = arith.constant 32 : i32
        %add3A_341 = vector.broadcast %add3A_340 : i32 to vector<16xi32>
        %add3A_342 = arith.addi %add3A_341, %iota3A_339 : vector<16xi32>
        %iota3A_343 = tpu.iota {dimensions = array<i32: 0>} : vector<16xi32>
        %add3A_344 = arith.constant 48 : i32
        %add3A_345 = vector.broadcast %add3A_344 : i32 to vector<16xi32>
        %add3A_346 = arith.addi %add3A_345, %iota3A_343 : vector<16xi32>
        %iota3A_347 = tpu.iota {dimensions = array<i32: 0>} : vector<16xi32>
        %add3A_348 = arith.constant 64 : i32
        %add3A_349 = vector.broadcast %add3A_348 : i32 to vector<16xi32>
        %add3A_350 = arith.addi %add3A_349, %iota3A_347 : vector<16xi32>
        %iota3A_351 = tpu.iota {dimensions = array<i32: 0>} : vector<16xi32>
        %add3A_352 = arith.constant 80 : i32
        %add3A_353 = vector.broadcast %add3A_352 : i32 to vector<16xi32>
        %add3A_354 = arith.addi %add3A_353, %iota3A_351 : vector<16xi32>
        %iota3A_355 = tpu.iota {dimensions = array<i32: 0>} : vector<16xi32>
        %add3A_356 = arith.constant 96 : i32
        %add3A_357 = vector.broadcast %add3A_356 : i32 to vector<16xi32>
        %add3A_358 = arith.addi %add3A_357, %iota3A_355 : vector<16xi32>
        %iota3A_359 = tpu.iota {dimensions = array<i32: 0>} : vector<16xi32>
        %add3A_360 = arith.constant 112 : i32
        %add3A_361 = vector.broadcast %add3A_360 : i32 to vector<16xi32>
        %add3A_362 = arith.addi %add3A_361, %iota3A_359 : vector<16xi32>
        %gather3A_363 = arith.constant 0 : i32
        %gather3A_364 = arith.constant 0 : i32
        %gather3A_365 = tpu.memref_slice %arg6[%rem3A_137, %gather3A_363, %gather3A_364] : memref<6x128x64xi32, #tpu.memory_space<vmem>> -> memref<1x128x64xi32, #tpu.memory_space<vmem>>
        %gather3A_366 = tpu.memref_squeeze %gather3A_365 : memref<1x128x64xi32, #tpu.memory_space<vmem>> -> memref<128x64xi32, #tpu.memory_space<vmem>>
        %gather3A_367 = tpu.vector_load_idx %gather3A_366[%add3A_334, %add3A_324] : memref<128x64xi32, #tpu.memory_space<vmem>>[vector<16xi32>, vector<16xi32>], vector<16xi32>,
        %gather3A_368 = arith.constant 0 : i32
        %gather3A_369 = arith.constant 0 : i32
        %gather3A_370 = tpu.memref_slice %arg6[%rem3A_137, %gather3A_368, %gather3A_369] : memref<6x128x64xi32, #tpu.memory_space<vmem>> -> memref<1x128x64xi32, #tpu.memory_space<vmem>>
        %gather3A_371 = tpu.memref_squeeze %gather3A_370 : memref<1x128x64xi32, #tpu.memory_space<vmem>> -> memref<128x64xi32, #tpu.memory_space<vmem>>
        %gather3A_372 = tpu.vector_load_idx %gather3A_371[%add3A_338, %add3A_324] : memref<128x64xi32, #tpu.memory_space<vmem>>[vector<16xi32>, vector<16xi32>], vector<16xi32>,
        %gather3A_373 = arith.constant 0 : i32
        %gather3A_374 = arith.constant 0 : i32
        %gather3A_375 = tpu.memref_slice %arg6[%rem3A_137, %gather3A_373, %gather3A_374] : memref<6x128x64xi32, #tpu.memory_space<vmem>> -> memref<1x128x64xi32, #tpu.memory_space<vmem>>
        %gather3A_376 = tpu.memref_squeeze %gather3A_375 : memref<1x128x64xi32, #tpu.memory_space<vmem>> -> memref<128x64xi32, #tpu.memory_space<vmem>>
        %gather3A_377 = tpu.vector_load_idx %gather3A_376[%add3A_342, %add3A_324] : memref<128x64xi32, #tpu.memory_space<vmem>>[vector<16xi32>, vector<16xi32>], vector<16xi32>,
        %gather3A_378 = arith.constant 0 : i32
        %gather3A_379 = arith.constant 0 : i32
        %gather3A_380 = tpu.memref_slice %arg6[%rem3A_137, %gather3A_378, %gather3A_379] : memref<6x128x64xi32, #tpu.memory_space<vmem>> -> memref<1x128x64xi32, #tpu.memory_space<vmem>>
        %gather3A_381 = tpu.memref_squeeze %gather3A_380 : memref<1x128x64xi32, #tpu.memory_space<vmem>> -> memref<128x64xi32, #tpu.memory_space<vmem>>
        %gather3A_382 = tpu.vector_load_idx %gather3A_381[%add3A_346, %add3A_324] : memref<128x64xi32, #tpu.memory_space<vmem>>[vector<16xi32>, vector<16xi32>], vector<16xi32>,
        %gather3A_383 = arith.constant 0 : i32
        %gather3A_384 = arith.constant 0 : i32
        %gather3A_385 = tpu.memref_slice %arg6[%rem3A_137, %gather3A_383, %gather3A_384] : memref<6x128x64xi32, #tpu.memory_space<vmem>> -> memref<1x128x64xi32, #tpu.memory_space<vmem>>
        %gather3A_386 = tpu.memref_squeeze %gather3A_385 : memref<1x128x64xi32, #tpu.memory_space<vmem>> -> memref<128x64xi32, #tpu.memory_space<vmem>>
        %gather3A_387 = tpu.vector_load_idx %gather3A_386[%add3A_350, %add3A_324] : memref<128x64xi32, #tpu.memory_space<vmem>>[vector<16xi32>, vector<16xi32>], vector<16xi32>,
        %gather3A_388 = arith.constant 0 : i32
        %gather3A_389 = arith.constant 0 : i32
        %gather3A_390 = tpu.memref_slice %arg6[%rem3A_137, %gather3A_388, %gather3A_389] : memref<6x128x64xi32, #tpu.memory_space<vmem>> -> memref<1x128x64xi32, #tpu.memory_space<vmem>>
        %gather3A_391 = tpu.memref_squeeze %gather3A_390 : memref<1x128x64xi32, #tpu.memory_space<vmem>> -> memref<128x64xi32, #tpu.memory_space<vmem>>
        %gather3A_392 = tpu.vector_load_idx %gather3A_391[%add3A_354, %add3A_324] : memref<128x64xi32, #tpu.memory_space<vmem>>[vector<16xi32>, vector<16xi32>], vector<16xi32>,
        %gather3A_393 = arith.constant 0 : i32
        %gather3A_394 = arith.constant 0 : i32
        %gather3A_395 = tpu.memref_slice %arg6[%rem3A_137, %gather3A_393, %gather3A_394] : memref<6x128x64xi32, #tpu.memory_space<vmem>> -> memref<1x128x64xi32, #tpu.memory_space<vmem>>
        %gather3A_396 = tpu.memref_squeeze %gather3A_395 : memref<1x128x64xi32, #tpu.memory_space<vmem>> -> memref<128x64xi32, #tpu.memory_space<vmem>>
        %gather3A_397 = tpu.vector_load_idx %gather3A_396[%add3A_358, %add3A_324] : memref<128x64xi32, #tpu.memory_space<vmem>>[vector<16xi32>, vector<16xi32>], vector<16xi32>,
        %gather3A_398 = arith.constant 0 : i32
        %gather3A_399 = arith.constant 0 : i32
        %gather3A_400 = tpu.memref_slice %arg6[%rem3A_137, %gather3A_398, %gather3A_399] : memref<6x128x64xi32, #tpu.memory_space<vmem>> -> memref<1x128x64xi32, #tpu.memory_space<vmem>>
        %gather3A_401 = tpu.memref_squeeze %gather3A_400 : memref<1x128x64xi32, #tpu.memory_space<vmem>> -> memref<128x64xi32, #tpu.memory_space<vmem>>
        %gather3A_402 = tpu.vector_load_idx %gather3A_401[%add3A_362, %add3A_324] : memref<128x64xi32, #tpu.memory_space<vmem>>[vector<16xi32>, vector<16xi32>], vector<16xi32>,
        %bitcast_convert_type3A_403 = tpu.bitcast %gather3A_367 : vector<16xi32> -> vector<16xf32>
        %scatter3A_404 = arith.constant 0 : i32
        %scatter3A_405 = arith.constant 0 : i32
        %scatter3A_406 = arith.constant 0 : i32
        %scatter3A_407 = tpu.memref_slice %arg7[%rem3A_139, %scatter3A_404, %scatter3A_405, %scatter3A_406] : memref<2x8x8x128xf32, #tpu.memory_space<vmem>> -> memref<1x8x8x128xf32, #tpu.memory_space<vmem>>
        %scatter3A_408 = tpu.memref_squeeze %scatter3A_407 : memref<1x8x8x128xf32, #tpu.memory_space<vmem>> -> memref<8x8x128xf32, #tpu.memory_space<vmem>>
        tpu.vector_store_idx %scatter3A_408[%shift_right_logical3A_327, %and3A_330, %add3A_334], %bitcast_convert_type3A_403 : memref<8x8x128xf32, #tpu.memory_space<vmem>>[vector<16xi32>, vector<16xi32>, vector<16xi32>], vector<16xf32>,
        %bitcast_convert_type3A_409 = tpu.bitcast %gather3A_372 : vector<16xi32> -> vector<16xf32>
        %scatter3A_410 = arith.constant 0 : i32
        %scatter3A_411 = arith.constant 0 : i32
        %scatter3A_412 = arith.constant 0 : i32
        %scatter3A_413 = tpu.memref_slice %arg7[%rem3A_139, %scatter3A_410, %scatter3A_411, %scatter3A_412] : memref<2x8x8x128xf32, #tpu.memory_space<vmem>> -> memref<1x8x8x128xf32, #tpu.memory_space<vmem>>
        %scatter3A_414 = tpu.memref_squeeze %scatter3A_413 : memref<1x8x8x128xf32, #tpu.memory_space<vmem>> -> memref<8x8x128xf32, #tpu.memory_space<vmem>>
        tpu.vector_store_idx %scatter3A_414[%shift_right_logical3A_327, %and3A_330, %add3A_338], %bitcast_convert_type3A_409 : memref<8x8x128xf32, #tpu.memory_space<vmem>>[vector<16xi32>, vector<16xi32>, vector<16xi32>], vector<16xf32>,
        %bitcast_convert_type3A_415 = tpu.bitcast %gather3A_377 : vector<16xi32> -> vector<16xf32>
        %scatter3A_416 = arith.constant 0 : i32
        %scatter3A_417 = arith.constant 0 : i32
        %scatter3A_418 = arith.constant 0 : i32
        %scatter3A_419 = tpu.memref_slice %arg7[%rem3A_139, %scatter3A_416, %scatter3A_417, %scatter3A_418] : memref<2x8x8x128xf32, #tpu.memory_space<vmem>> -> memref<1x8x8x128xf32, #tpu.memory_space<vmem>>
        %scatter3A_420 = tpu.memref_squeeze %scatter3A_419 : memref<1x8x8x128xf32, #tpu.memory_space<vmem>> -> memref<8x8x128xf32, #tpu.memory_space<vmem>>
        tpu.vector_store_idx %scatter3A_420[%shift_right_logical3A_327, %and3A_330, %add3A_342], %bitcast_convert_type3A_415 : memref<8x8x128xf32, #tpu.memory_space<vmem>>[vector<16xi32>, vector<16xi32>, vector<16xi32>], vector<16xf32>,
        %bitcast_convert_type3A_421 = tpu.bitcast %gather3A_382 : vector<16xi32> -> vector<16xf32>
        %scatter3A_422 = arith.constant 0 : i32
        %scatter3A_423 = arith.constant 0 : i32
        %scatter3A_424 = arith.constant 0 : i32
        %scatter3A_425 = tpu.memref_slice %arg7[%rem3A_139, %scatter3A_422, %scatter3A_423, %scatter3A_424] : memref<2x8x8x128xf32, #tpu.memory_space<vmem>> -> memref<1x8x8x128xf32, #tpu.memory_space<vmem>>
        %scatter3A_426 = tpu.memref_squeeze %scatter3A_425 : memref<1x8x8x128xf32, #tpu.memory_space<vmem>> -> memref<8x8x128xf32, #tpu.memory_space<vmem>>
        tpu.vector_store_idx %scatter3A_426[%shift_right_logical3A_327, %and3A_330, %add3A_346], %bitcast_convert_type3A_421 : memref<8x8x128xf32, #tpu.memory_space<vmem>>[vector<16xi32>, vector<16xi32>, vector<16xi32>], vector<16xf32>,
        %bitcast_convert_type3A_427 = tpu.bitcast %gather3A_387 : vector<16xi32> -> vector<16xf32>
        %scatter3A_428 = arith.constant 0 : i32
        %scatter3A_429 = arith.constant 0 : i32
        %scatter3A_430 = arith.constant 0 : i32
        %scatter3A_431 = tpu.memref_slice %arg7[%rem3A_139, %scatter3A_428, %scatter3A_429, %scatter3A_430] : memref<2x8x8x128xf32, #tpu.memory_space<vmem>> -> memref<1x8x8x128xf32, #tpu.memory_space<vmem>>
        %scatter3A_432 = tpu.memref_squeeze %scatter3A_431 : memref<1x8x8x128xf32, #tpu.memory_space<vmem>> -> memref<8x8x128xf32, #tpu.memory_space<vmem>>
        tpu.vector_store_idx %scatter3A_432[%shift_right_logical3A_327, %and3A_330, %add3A_350], %bitcast_convert_type3A_427 : memref<8x8x128xf32, #tpu.memory_space<vmem>>[vector<16xi32>, vector<16xi32>, vector<16xi32>], vector<16xf32>,
        %bitcast_convert_type3A_433 = tpu.bitcast %gather3A_392 : vector<16xi32> -> vector<16xf32>
        %scatter3A_434 = arith.constant 0 : i32
        %scatter3A_435 = arith.constant 0 : i32
        %scatter3A_436 = arith.constant 0 : i32
        %scatter3A_437 = tpu.memref_slice %arg7[%rem3A_139, %scatter3A_434, %scatter3A_435, %scatter3A_436] : memref<2x8x8x128xf32, #tpu.memory_space<vmem>> -> memref<1x8x8x128xf32, #tpu.memory_space<vmem>>
        %scatter3A_438 = tpu.memref_squeeze %scatter3A_437 : memref<1x8x8x128xf32, #tpu.memory_space<vmem>> -> memref<8x8x128xf32, #tpu.memory_space<vmem>>
        tpu.vector_store_idx %scatter3A_438[%shift_right_logical3A_327, %and3A_330, %add3A_354], %bitcast_convert_type3A_433 : memref<8x8x128xf32, #tpu.memory_space<vmem>>[vector<16xi32>, vector<16xi32>, vector<16xi32>], vector<16xf32>,
        %bitcast_convert_type3A_439 = tpu.bitcast %gather3A_397 : vector<16xi32> -> vector<16xf32>
        %scatter3A_440 = arith.constant 0 : i32
        %scatter3A_441 = arith.constant 0 : i32
        %scatter3A_442 = arith.constant 0 : i32
        %scatter3A_443 = tpu.memref_slice %arg7[%rem3A_139, %scatter3A_440, %scatter3A_441, %scatter3A_442] : memref<2x8x8x128xf32, #tpu.memory_space<vmem>> -> memref<1x8x8x128xf32, #tpu.memory_space<vmem>>
        %scatter3A_444 = tpu.memref_squeeze %scatter3A_443 : memref<1x8x8x128xf32, #tpu.memory_space<vmem>> -> memref<8x8x128xf32, #tpu.memory_space<vmem>>
        tpu.vector_store_idx %scatter3A_444[%shift_right_logical3A_327, %and3A_330, %add3A_358], %bitcast_convert_type3A_439 : memref<8x8x128xf32, #tpu.memory_space<vmem>>[vector<16xi32>, vector<16xi32>, vector<16xi32>], vector<16xf32>,
        %bitcast_convert_type3A_445 = tpu.bitcast %gather3A_402 : vector<16xi32> -> vector<16xf32>
        %scatter3A_446 = arith.constant 0 : i32
        %scatter3A_447 = arith.constant 0 : i32
        %scatter3A_448 = arith.constant 0 : i32
        %scatter3A_449 = tpu.memref_slice %arg7[%rem3A_139, %scatter3A_446, %scatter3A_447, %scatter3A_448] : memref<2x8x8x128xf32, #tpu.memory_space<vmem>> -> memref<1x8x8x128xf32, #tpu.memory_space<vmem>>
        %scatter3A_450 = tpu.memref_squeeze %scatter3A_449 : memref<1x8x8x128xf32, #tpu.memory_space<vmem>> -> memref<8x8x128xf32, #tpu.memory_space<vmem>>
        tpu.vector_store_idx %scatter3A_450[%shift_right_logical3A_327, %and3A_330, %add3A_362], %bitcast_convert_type3A_445 : memref<8x8x128xf32, #tpu.memory_space<vmem>>[vector<16xi32>, vector<16xi32>, vector<16xi32>], vector<16xf32>,
        %add3A_451 = arith.constant 32 : i32
        %add3A_452 = vector.broadcast %add3A_451 : i32 to vector<16xi32>
        %add3A_453 = arith.addi %add3A_452, %and3A_196 : vector<16xi32>
        %shift_right_logical3A_454 = arith.constant 3 : i32
        %shift_right_logical3A_455 = vector.broadcast %shift_right_logical3A_454 : i32 to vector<16xi32>
        %shift_right_logical3A_456 = arith.shrui %add3A_453, %shift_right_logical3A_455 : vector<16xi32>
        %and3A_457 = arith.constant 7 : i32
        %and3A_458 = vector.broadcast %and3A_457 : i32 to vector<16xi32>
        %and3A_459 = arith.andi %add3A_453, %and3A_458 : vector<16xi32>
        %iota3A_460 = tpu.iota {dimensions = array<i32: 0>} : vector<16xi32>
        %add3A_461 = arith.constant 0 : i32
        %add3A_462 = vector.broadcast %add3A_461 : i32 to vector<16xi32>
        %add3A_463 = arith.addi %add3A_462, %iota3A_460 : vector<16xi32>
        %iota3A_464 = tpu.iota {dimensions = array<i32: 0>} : vector<16xi32>
        %add3A_465 = arith.constant 16 : i32
        %add3A_466 = vector.broadcast %add3A_465 : i32 to vector<16xi32>
        %add3A_467 = arith.addi %add3A_466, %iota3A_464 : vector<16xi32>
        %iota3A_468 = tpu.iota {dimensions = array<i32: 0>} : vector<16xi32>
        %add3A_469 = arith.constant 32 : i32
        %add3A_470 = vector.broadcast %add3A_469 : i32 to vector<16xi32>
        %add3A_471 = arith.addi %add3A_470, %iota3A_468 : vector<16xi32>
        %iota3A_472 = tpu.iota {dimensions = array<i32: 0>} : vector<16xi32>
        %add3A_473 = arith.constant 48 : i32
        %add3A_474 = vector.broadcast %add3A_473 : i32 to vector<16xi32>
        %add3A_475 = arith.addi %add3A_474, %iota3A_472 : vector<16xi32>
        %iota3A_476 = tpu.iota {dimensions = array<i32: 0>} : vector<16xi32>
        %add3A_477 = arith.constant 64 : i32
        %add3A_478 = vector.broadcast %add3A_477 : i32 to vector<16xi32>
        %add3A_479 = arith.addi %add3A_478, %iota3A_476 : vector<16xi32>
        %iota3A_480 = tpu.iota {dimensions = array<i32: 0>} : vector<16xi32>
        %add3A_481 = arith.constant 80 : i32
        %add3A_482 = vector.broadcast %add3A_481 : i32 to vector<16xi32>
        %add3A_483 = arith.addi %add3A_482, %iota3A_480 : vector<16xi32>
        %iota3A_484 = tpu.iota {dimensions = array<i32: 0>} : vector<16xi32>
        %add3A_485 = arith.constant 96 : i32
        %add3A_486 = vector.broadcast %add3A_485 : i32 to vector<16xi32>
        %add3A_487 = arith.addi %add3A_486, %iota3A_484 : vector<16xi32>
        %iota3A_488 = tpu.iota {dimensions = array<i32: 0>} : vector<16xi32>
        %add3A_489 = arith.constant 112 : i32
        %add3A_490 = vector.broadcast %add3A_489 : i32 to vector<16xi32>
        %add3A_491 = arith.addi %add3A_490, %iota3A_488 : vector<16xi32>
        %gather3A_492 = arith.constant 0 : i32
        %gather3A_493 = arith.constant 0 : i32
        %gather3A_494 = tpu.memref_slice %arg6[%rem3A_137, %gather3A_492, %gather3A_493] : memref<6x128x64xi32, #tpu.memory_space<vmem>> -> memref<1x128x64xi32, #tpu.memory_space<vmem>>
        %gather3A_495 = tpu.memref_squeeze %gather3A_494 : memref<1x128x64xi32, #tpu.memory_space<vmem>> -> memref<128x64xi32, #tpu.memory_space<vmem>>
        %gather3A_496 = tpu.vector_load_idx %gather3A_495[%add3A_463, %add3A_453] : memref<128x64xi32, #tpu.memory_space<vmem>>[vector<16xi32>, vector<16xi32>], vector<16xi32>,
        %gather3A_497 = arith.constant 0 : i32
        %gather3A_498 = arith.constant 0 : i32
        %gather3A_499 = tpu.memref_slice %arg6[%rem3A_137, %gather3A_497, %gather3A_498] : memref<6x128x64xi32, #tpu.memory_space<vmem>> -> memref<1x128x64xi32, #tpu.memory_space<vmem>>
        %gather3A_500 = tpu.memref_squeeze %gather3A_499 : memref<1x128x64xi32, #tpu.memory_space<vmem>> -> memref<128x64xi32, #tpu.memory_space<vmem>>
        %gather3A_501 = tpu.vector_load_idx %gather3A_500[%add3A_467, %add3A_453] : memref<128x64xi32, #tpu.memory_space<vmem>>[vector<16xi32>, vector<16xi32>], vector<16xi32>,
        %gather3A_502 = arith.constant 0 : i32
        %gather3A_503 = arith.constant 0 : i32
        %gather3A_504 = tpu.memref_slice %arg6[%rem3A_137, %gather3A_502, %gather3A_503] : memref<6x128x64xi32, #tpu.memory_space<vmem>> -> memref<1x128x64xi32, #tpu.memory_space<vmem>>
        %gather3A_505 = tpu.memref_squeeze %gather3A_504 : memref<1x128x64xi32, #tpu.memory_space<vmem>> -> memref<128x64xi32, #tpu.memory_space<vmem>>
        %gather3A_506 = tpu.vector_load_idx %gather3A_505[%add3A_471, %add3A_453] : memref<128x64xi32, #tpu.memory_space<vmem>>[vector<16xi32>, vector<16xi32>], vector<16xi32>,
        %gather3A_507 = arith.constant 0 : i32
        %gather3A_508 = arith.constant 0 : i32
        %gather3A_509 = tpu.memref_slice %arg6[%rem3A_137, %gather3A_507, %gather3A_508] : memref<6x128x64xi32, #tpu.memory_space<vmem>> -> memref<1x128x64xi32, #tpu.memory_space<vmem>>
        %gather3A_510 = tpu.memref_squeeze %gather3A_509 : memref<1x128x64xi32, #tpu.memory_space<vmem>> -> memref<128x64xi32, #tpu.memory_space<vmem>>
        %gather3A_511 = tpu.vector_load_idx %gather3A_510[%add3A_475, %add3A_453] : memref<128x64xi32, #tpu.memory_space<vmem>>[vector<16xi32>, vector<16xi32>], vector<16xi32>,
        %gather3A_512 = arith.constant 0 : i32
        %gather3A_513 = arith.constant 0 : i32
        %gather3A_514 = tpu.memref_slice %arg6[%rem3A_137, %gather3A_512, %gather3A_513] : memref<6x128x64xi32, #tpu.memory_space<vmem>> -> memref<1x128x64xi32, #tpu.memory_space<vmem>>
        %gather3A_515 = tpu.memref_squeeze %gather3A_514 : memref<1x128x64xi32, #tpu.memory_space<vmem>> -> memref<128x64xi32, #tpu.memory_space<vmem>>
        %gather3A_516 = tpu.vector_load_idx %gather3A_515[%add3A_479, %add3A_453] : memref<128x64xi32, #tpu.memory_space<vmem>>[vector<16xi32>, vector<16xi32>], vector<16xi32>,
        %gather3A_517 = arith.constant 0 : i32
        %gather3A_518 = arith.constant 0 : i32
        %gather3A_519 = tpu.memref_slice %arg6[%rem3A_137, %gather3A_517, %gather3A_518] : memref<6x128x64xi32, #tpu.memory_space<vmem>> -> memref<1x128x64xi32, #tpu.memory_space<vmem>>
        %gather3A_520 = tpu.memref_squeeze %gather3A_519 : memref<1x128x64xi32, #tpu.memory_space<vmem>> -> memref<128x64xi32, #tpu.memory_space<vmem>>
        %gather3A_521 = tpu.vector_load_idx %gather3A_520[%add3A_483, %add3A_453] : memref<128x64xi32, #tpu.memory_space<vmem>>[vector<16xi32>, vector<16xi32>], vector<16xi32>,
        %gather3A_522 = arith.constant 0 : i32
        %gather3A_523 = arith.constant 0 : i32
        %gather3A_524 = tpu.memref_slice %arg6[%rem3A_137, %gather3A_522, %gather3A_523] : memref<6x128x64xi32, #tpu.memory_space<vmem>> -> memref<1x128x64xi32, #tpu.memory_space<vmem>>
        %gather3A_525 = tpu.memref_squeeze %gather3A_524 : memref<1x128x64xi32, #tpu.memory_space<vmem>> -> memref<128x64xi32, #tpu.memory_space<vmem>>
        %gather3A_526 = tpu.vector_load_idx %gather3A_525[%add3A_487, %add3A_453] : memref<128x64xi32, #tpu.memory_space<vmem>>[vector<16xi32>, vector<16xi32>], vector<16xi32>,
        %gather3A_527 = arith.constant 0 : i32
        %gather3A_528 = arith.constant 0 : i32
        %gather3A_529 = tpu.memref_slice %arg6[%rem3A_137, %gather3A_527, %gather3A_528] : memref<6x128x64xi32, #tpu.memory_space<vmem>> -> memref<1x128x64xi32, #tpu.memory_space<vmem>>
        %gather3A_530 = tpu.memref_squeeze %gather3A_529 : memref<1x128x64xi32, #tpu.memory_space<vmem>> -> memref<128x64xi32, #tpu.memory_space<vmem>>
        %gather3A_531 = tpu.vector_load_idx %gather3A_530[%add3A_491, %add3A_453] : memref<128x64xi32, #tpu.memory_space<vmem>>[vector<16xi32>, vector<16xi32>], vector<16xi32>,
        %bitcast_convert_type3A_532 = tpu.bitcast %gather3A_496 : vector<16xi32> -> vector<16xf32>
        %scatter3A_533 = arith.constant 0 : i32
        %scatter3A_534 = arith.constant 0 : i32
        %scatter3A_535 = arith.constant 0 : i32
        %scatter3A_536 = tpu.memref_slice %arg7[%rem3A_139, %scatter3A_533, %scatter3A_534, %scatter3A_535] : memref<2x8x8x128xf32, #tpu.memory_space<vmem>> -> memref<1x8x8x128xf32, #tpu.memory_space<vmem>>
        %scatter3A_537 = tpu.memref_squeeze %scatter3A_536 : memref<1x8x8x128xf32, #tpu.memory_space<vmem>> -> memref<8x8x128xf32, #tpu.memory_space<vmem>>
        tpu.vector_store_idx %scatter3A_537[%shift_right_logical3A_456, %and3A_459, %add3A_463], %bitcast_convert_type3A_532 : memref<8x8x128xf32, #tpu.memory_space<vmem>>[vector<16xi32>, vector<16xi32>, vector<16xi32>], vector<16xf32>,
        %bitcast_convert_type3A_538 = tpu.bitcast %gather3A_501 : vector<16xi32> -> vector<16xf32>
        %scatter3A_539 = arith.constant 0 : i32
        %scatter3A_540 = arith.constant 0 : i32
        %scatter3A_541 = arith.constant 0 : i32
        %scatter3A_542 = tpu.memref_slice %arg7[%rem3A_139, %scatter3A_539, %scatter3A_540, %scatter3A_541] : memref<2x8x8x128xf32, #tpu.memory_space<vmem>> -> memref<1x8x8x128xf32, #tpu.memory_space<vmem>>
        %scatter3A_543 = tpu.memref_squeeze %scatter3A_542 : memref<1x8x8x128xf32, #tpu.memory_space<vmem>> -> memref<8x8x128xf32, #tpu.memory_space<vmem>>
        tpu.vector_store_idx %scatter3A_543[%shift_right_logical3A_456, %and3A_459, %add3A_467], %bitcast_convert_type3A_538 : memref<8x8x128xf32, #tpu.memory_space<vmem>>[vector<16xi32>, vector<16xi32>, vector<16xi32>], vector<16xf32>,
        %bitcast_convert_type3A_544 = tpu.bitcast %gather3A_506 : vector<16xi32> -> vector<16xf32>
        %scatter3A_545 = arith.constant 0 : i32
        %scatter3A_546 = arith.constant 0 : i32
        %scatter3A_547 = arith.constant 0 : i32
        %scatter3A_548 = tpu.memref_slice %arg7[%rem3A_139, %scatter3A_545, %scatter3A_546, %scatter3A_547] : memref<2x8x8x128xf32, #tpu.memory_space<vmem>> -> memref<1x8x8x128xf32, #tpu.memory_space<vmem>>
        %scatter3A_549 = tpu.memref_squeeze %scatter3A_548 : memref<1x8x8x128xf32, #tpu.memory_space<vmem>> -> memref<8x8x128xf32, #tpu.memory_space<vmem>>
        tpu.vector_store_idx %scatter3A_549[%shift_right_logical3A_456, %and3A_459, %add3A_471], %bitcast_convert_type3A_544 : memref<8x8x128xf32, #tpu.memory_space<vmem>>[vector<16xi32>, vector<16xi32>, vector<16xi32>], vector<16xf32>,
        %bitcast_convert_type3A_550 = tpu.bitcast %gather3A_511 : vector<16xi32> -> vector<16xf32>
        %scatter3A_551 = arith.constant 0 : i32
        %scatter3A_552 = arith.constant 0 : i32
        %scatter3A_553 = arith.constant 0 : i32
        %scatter3A_554 = tpu.memref_slice %arg7[%rem3A_139, %scatter3A_551, %scatter3A_552, %scatter3A_553] : memref<2x8x8x128xf32, #tpu.memory_space<vmem>> -> memref<1x8x8x128xf32, #tpu.memory_space<vmem>>
        %scatter3A_555 = tpu.memref_squeeze %scatter3A_554 : memref<1x8x8x128xf32, #tpu.memory_space<vmem>> -> memref<8x8x128xf32, #tpu.memory_space<vmem>>
        tpu.vector_store_idx %scatter3A_555[%shift_right_logical3A_456, %and3A_459, %add3A_475], %bitcast_convert_type3A_550 : memref<8x8x128xf32, #tpu.memory_space<vmem>>[vector<16xi32>, vector<16xi32>, vector<16xi32>], vector<16xf32>,
        %bitcast_convert_type3A_556 = tpu.bitcast %gather3A_516 : vector<16xi32> -> vector<16xf32>
        %scatter3A_557 = arith.constant 0 : i32
        %scatter3A_558 = arith.constant 0 : i32
        %scatter3A_559 = arith.constant 0 : i32
        %scatter3A_560 = tpu.memref_slice %arg7[%rem3A_139, %scatter3A_557, %scatter3A_558, %scatter3A_559] : memref<2x8x8x128xf32, #tpu.memory_space<vmem>> -> memref<1x8x8x128xf32, #tpu.memory_space<vmem>>
        %scatter3A_561 = tpu.memref_squeeze %scatter3A_560 : memref<1x8x8x128xf32, #tpu.memory_space<vmem>> -> memref<8x8x128xf32, #tpu.memory_space<vmem>>
        tpu.vector_store_idx %scatter3A_561[%shift_right_logical3A_456, %and3A_459, %add3A_479], %bitcast_convert_type3A_556 : memref<8x8x128xf32, #tpu.memory_space<vmem>>[vector<16xi32>, vector<16xi32>, vector<16xi32>], vector<16xf32>,
        %bitcast_convert_type3A_562 = tpu.bitcast %gather3A_521 : vector<16xi32> -> vector<16xf32>
        %scatter3A_563 = arith.constant 0 : i32
        %scatter3A_564 = arith.constant 0 : i32
        %scatter3A_565 = arith.constant 0 : i32
        %scatter3A_566 = tpu.memref_slice %arg7[%rem3A_139, %scatter3A_563, %scatter3A_564, %scatter3A_565] : memref<2x8x8x128xf32, #tpu.memory_space<vmem>> -> memref<1x8x8x128xf32, #tpu.memory_space<vmem>>
        %scatter3A_567 = tpu.memref_squeeze %scatter3A_566 : memref<1x8x8x128xf32, #tpu.memory_space<vmem>> -> memref<8x8x128xf32, #tpu.memory_space<vmem>>
        tpu.vector_store_idx %scatter3A_567[%shift_right_logical3A_456, %and3A_459, %add3A_483], %bitcast_convert_type3A_562 : memref<8x8x128xf32, #tpu.memory_space<vmem>>[vector<16xi32>, vector<16xi32>, vector<16xi32>], vector<16xf32>,
        %bitcast_convert_type3A_568 = tpu.bitcast %gather3A_526 : vector<16xi32> -> vector<16xf32>
        %scatter3A_569 = arith.constant 0 : i32
        %scatter3A_570 = arith.constant 0 : i32
        %scatter3A_571 = arith.constant 0 : i32
        %scatter3A_572 = tpu.memref_slice %arg7[%rem3A_139, %scatter3A_569, %scatter3A_570, %scatter3A_571] : memref<2x8x8x128xf32, #tpu.memory_space<vmem>> -> memref<1x8x8x128xf32, #tpu.memory_space<vmem>>
        %scatter3A_573 = tpu.memref_squeeze %scatter3A_572 : memref<1x8x8x128xf32, #tpu.memory_space<vmem>> -> memref<8x8x128xf32, #tpu.memory_space<vmem>>
        tpu.vector_store_idx %scatter3A_573[%shift_right_logical3A_456, %and3A_459, %add3A_487], %bitcast_convert_type3A_568 : memref<8x8x128xf32, #tpu.memory_space<vmem>>[vector<16xi32>, vector<16xi32>, vector<16xi32>], vector<16xf32>,
        %bitcast_convert_type3A_574 = tpu.bitcast %gather3A_531 : vector<16xi32> -> vector<16xf32>
        %scatter3A_575 = arith.constant 0 : i32
        %scatter3A_576 = arith.constant 0 : i32
        %scatter3A_577 = arith.constant 0 : i32
        %scatter3A_578 = tpu.memref_slice %arg7[%rem3A_139, %scatter3A_575, %scatter3A_576, %scatter3A_577] : memref<2x8x8x128xf32, #tpu.memory_space<vmem>> -> memref<1x8x8x128xf32, #tpu.memory_space<vmem>>
        %scatter3A_579 = tpu.memref_squeeze %scatter3A_578 : memref<1x8x8x128xf32, #tpu.memory_space<vmem>> -> memref<8x8x128xf32, #tpu.memory_space<vmem>>
        tpu.vector_store_idx %scatter3A_579[%shift_right_logical3A_456, %and3A_459, %add3A_491], %bitcast_convert_type3A_574 : memref<8x8x128xf32, #tpu.memory_space<vmem>>[vector<16xi32>, vector<16xi32>, vector<16xi32>], vector<16xf32>,
        %add3A_580 = arith.constant 48 : i32
        %add3A_581 = vector.broadcast %add3A_580 : i32 to vector<16xi32>
        %add3A_582 = arith.addi %add3A_581, %and3A_196 : vector<16xi32>
        %shift_right_logical3A_583 = arith.constant 3 : i32
        %shift_right_logical3A_584 = vector.broadcast %shift_right_logical3A_583 : i32 to vector<16xi32>
        %shift_right_logical3A_585 = arith.shrui %add3A_582, %shift_right_logical3A_584 : vector<16xi32>
        %and3A_586 = arith.constant 7 : i32
        %and3A_587 = vector.broadcast %and3A_586 : i32 to vector<16xi32>
        %and3A_588 = arith.andi %add3A_582, %and3A_587 : vector<16xi32>
        %iota3A_589 = tpu.iota {dimensions = array<i32: 0>} : vector<16xi32>
        %add3A_590 = arith.constant 0 : i32
        %add3A_591 = vector.broadcast %add3A_590 : i32 to vector<16xi32>
        %add3A_592 = arith.addi %add3A_591, %iota3A_589 : vector<16xi32>
        %iota3A_593 = tpu.iota {dimensions = array<i32: 0>} : vector<16xi32>
        %add3A_594 = arith.constant 16 : i32
        %add3A_595 = vector.broadcast %add3A_594 : i32 to vector<16xi32>
        %add3A_596 = arith.addi %add3A_595, %iota3A_593 : vector<16xi32>
        %iota3A_597 = tpu.iota {dimensions = array<i32: 0>} : vector<16xi32>
        %add3A_598 = arith.constant 32 : i32
        %add3A_599 = vector.broadcast %add3A_598 : i32 to vector<16xi32>
        %add3A_600 = arith.addi %add3A_599, %iota3A_597 : vector<16xi32>
        %iota3A_601 = tpu.iota {dimensions = array<i32: 0>} : vector<16xi32>
        %add3A_602 = arith.constant 48 : i32
        %add3A_603 = vector.broadcast %add3A_602 : i32 to vector<16xi32>
        %add3A_604 = arith.addi %add3A_603, %iota3A_601 : vector<16xi32>
        %iota3A_605 = tpu.iota {dimensions = array<i32: 0>} : vector<16xi32>
        %add3A_606 = arith.constant 64 : i32
        %add3A_607 = vector.broadcast %add3A_606 : i32 to vector<16xi32>
        %add3A_608 = arith.addi %add3A_607, %iota3A_605 : vector<16xi32>
        %iota3A_609 = tpu.iota {dimensions = array<i32: 0>} : vector<16xi32>
        %add3A_610 = arith.constant 80 : i32
        %add3A_611 = vector.broadcast %add3A_610 : i32 to vector<16xi32>
        %add3A_612 = arith.addi %add3A_611, %iota3A_609 : vector<16xi32>
        %iota3A_613 = tpu.iota {dimensions = array<i32: 0>} : vector<16xi32>
        %add3A_614 = arith.constant 96 : i32
        %add3A_615 = vector.broadcast %add3A_614 : i32 to vector<16xi32>
        %add3A_616 = arith.addi %add3A_615, %iota3A_613 : vector<16xi32>
        %iota3A_617 = tpu.iota {dimensions = array<i32: 0>} : vector<16xi32>
        %add3A_618 = arith.constant 112 : i32
        %add3A_619 = vector.broadcast %add3A_618 : i32 to vector<16xi32>
        %add3A_620 = arith.addi %add3A_619, %iota3A_617 : vector<16xi32>
        %gather3A_621 = arith.constant 0 : i32
        %gather3A_622 = arith.constant 0 : i32
        %gather3A_623 = tpu.memref_slice %arg6[%rem3A_137, %gather3A_621, %gather3A_622] : memref<6x128x64xi32, #tpu.memory_space<vmem>> -> memref<1x128x64xi32, #tpu.memory_space<vmem>>
        %gather3A_624 = tpu.memref_squeeze %gather3A_623 : memref<1x128x64xi32, #tpu.memory_space<vmem>> -> memref<128x64xi32, #tpu.memory_space<vmem>>
        %gather3A_625 = tpu.vector_load_idx %gather3A_624[%add3A_592, %add3A_582] : memref<128x64xi32, #tpu.memory_space<vmem>>[vector<16xi32>, vector<16xi32>], vector<16xi32>,
        %gather3A_626 = arith.constant 0 : i32
        %gather3A_627 = arith.constant 0 : i32
        %gather3A_628 = tpu.memref_slice %arg6[%rem3A_137, %gather3A_626, %gather3A_627] : memref<6x128x64xi32, #tpu.memory_space<vmem>> -> memref<1x128x64xi32, #tpu.memory_space<vmem>>
        %gather3A_629 = tpu.memref_squeeze %gather3A_628 : memref<1x128x64xi32, #tpu.memory_space<vmem>> -> memref<128x64xi32, #tpu.memory_space<vmem>>
        %gather3A_630 = tpu.vector_load_idx %gather3A_629[%add3A_596, %add3A_582] : memref<128x64xi32, #tpu.memory_space<vmem>>[vector<16xi32>, vector<16xi32>], vector<16xi32>,
        %gather3A_631 = arith.constant 0 : i32
        %gather3A_632 = arith.constant 0 : i32
        %gather3A_633 = tpu.memref_slice %arg6[%rem3A_137, %gather3A_631, %gather3A_632] : memref<6x128x64xi32, #tpu.memory_space<vmem>> -> memref<1x128x64xi32, #tpu.memory_space<vmem>>
        %gather3A_634 = tpu.memref_squeeze %gather3A_633 : memref<1x128x64xi32, #tpu.memory_space<vmem>> -> memref<128x64xi32, #tpu.memory_space<vmem>>
        %gather3A_635 = tpu.vector_load_idx %gather3A_634[%add3A_600, %add3A_582] : memref<128x64xi32, #tpu.memory_space<vmem>>[vector<16xi32>, vector<16xi32>], vector<16xi32>,
        %gather3A_636 = arith.constant 0 : i32
        %gather3A_637 = arith.constant 0 : i32
        %gather3A_638 = tpu.memref_slice %arg6[%rem3A_137, %gather3A_636, %gather3A_637] : memref<6x128x64xi32, #tpu.memory_space<vmem>> -> memref<1x128x64xi32, #tpu.memory_space<vmem>>
        %gather3A_639 = tpu.memref_squeeze %gather3A_638 : memref<1x128x64xi32, #tpu.memory_space<vmem>> -> memref<128x64xi32, #tpu.memory_space<vmem>>
        %gather3A_640 = tpu.vector_load_idx %gather3A_639[%add3A_604, %add3A_582] : memref<128x64xi32, #tpu.memory_space<vmem>>[vector<16xi32>, vector<16xi32>], vector<16xi32>,
        %gather3A_641 = arith.constant 0 : i32
        %gather3A_642 = arith.constant 0 : i32
        %gather3A_643 = tpu.memref_slice %arg6[%rem3A_137, %gather3A_641, %gather3A_642] : memref<6x128x64xi32, #tpu.memory_space<vmem>> -> memref<1x128x64xi32, #tpu.memory_space<vmem>>
        %gather3A_644 = tpu.memref_squeeze %gather3A_643 : memref<1x128x64xi32, #tpu.memory_space<vmem>> -> memref<128x64xi32, #tpu.memory_space<vmem>>
        %gather3A_645 = tpu.vector_load_idx %gather3A_644[%add3A_608, %add3A_582] : memref<128x64xi32, #tpu.memory_space<vmem>>[vector<16xi32>, vector<16xi32>], vector<16xi32>,
        %gather3A_646 = arith.constant 0 : i32
        %gather3A_647 = arith.constant 0 : i32
        %gather3A_648 = tpu.memref_slice %arg6[%rem3A_137, %gather3A_646, %gather3A_647] : memref<6x128x64xi32, #tpu.memory_space<vmem>> -> memref<1x128x64xi32, #tpu.memory_space<vmem>>
        %gather3A_649 = tpu.memref_squeeze %gather3A_648 : memref<1x128x64xi32, #tpu.memory_space<vmem>> -> memref<128x64xi32, #tpu.memory_space<vmem>>
        %gather3A_650 = tpu.vector_load_idx %gather3A_649[%add3A_612, %add3A_582] : memref<128x64xi32, #tpu.memory_space<vmem>>[vector<16xi32>, vector<16xi32>], vector<16xi32>,
        %gather3A_651 = arith.constant 0 : i32
        %gather3A_652 = arith.constant 0 : i32
        %gather3A_653 = tpu.memref_slice %arg6[%rem3A_137, %gather3A_651, %gather3A_652] : memref<6x128x64xi32, #tpu.memory_space<vmem>> -> memref<1x128x64xi32, #tpu.memory_space<vmem>>
        %gather3A_654 = tpu.memref_squeeze %gather3A_653 : memref<1x128x64xi32, #tpu.memory_space<vmem>> -> memref<128x64xi32, #tpu.memory_space<vmem>>
        %gather3A_655 = tpu.vector_load_idx %gather3A_654[%add3A_616, %add3A_582] : memref<128x64xi32, #tpu.memory_space<vmem>>[vector<16xi32>, vector<16xi32>], vector<16xi32>,
        %gather3A_656 = arith.constant 0 : i32
        %gather3A_657 = arith.constant 0 : i32
        %gather3A_658 = tpu.memref_slice %arg6[%rem3A_137, %gather3A_656, %gather3A_657] : memref<6x128x64xi32, #tpu.memory_space<vmem>> -> memref<1x128x64xi32, #tpu.memory_space<vmem>>
        %gather3A_659 = tpu.memref_squeeze %gather3A_658 : memref<1x128x64xi32, #tpu.memory_space<vmem>> -> memref<128x64xi32, #tpu.memory_space<vmem>>
        %gather3A_660 = tpu.vector_load_idx %gather3A_659[%add3A_620, %add3A_582] : memref<128x64xi32, #tpu.memory_space<vmem>>[vector<16xi32>, vector<16xi32>], vector<16xi32>,
        %bitcast_convert_type3A_661 = tpu.bitcast %gather3A_625 : vector<16xi32> -> vector<16xf32>
        %scatter3A_662 = arith.constant 0 : i32
        %scatter3A_663 = arith.constant 0 : i32
        %scatter3A_664 = arith.constant 0 : i32
        %scatter3A_665 = tpu.memref_slice %arg7[%rem3A_139, %scatter3A_662, %scatter3A_663, %scatter3A_664] : memref<2x8x8x128xf32, #tpu.memory_space<vmem>> -> memref<1x8x8x128xf32, #tpu.memory_space<vmem>>
        %scatter3A_666 = tpu.memref_squeeze %scatter3A_665 : memref<1x8x8x128xf32, #tpu.memory_space<vmem>> -> memref<8x8x128xf32, #tpu.memory_space<vmem>>
        tpu.vector_store_idx %scatter3A_666[%shift_right_logical3A_585, %and3A_588, %add3A_592], %bitcast_convert_type3A_661 : memref<8x8x128xf32, #tpu.memory_space<vmem>>[vector<16xi32>, vector<16xi32>, vector<16xi32>], vector<16xf32>,
        %bitcast_convert_type3A_667 = tpu.bitcast %gather3A_630 : vector<16xi32> -> vector<16xf32>
        %scatter3A_668 = arith.constant 0 : i32
        %scatter3A_669 = arith.constant 0 : i32
        %scatter3A_670 = arith.constant 0 : i32
        %scatter3A_671 = tpu.memref_slice %arg7[%rem3A_139, %scatter3A_668, %scatter3A_669, %scatter3A_670] : memref<2x8x8x128xf32, #tpu.memory_space<vmem>> -> memref<1x8x8x128xf32, #tpu.memory_space<vmem>>
        %scatter3A_672 = tpu.memref_squeeze %scatter3A_671 : memref<1x8x8x128xf32, #tpu.memory_space<vmem>> -> memref<8x8x128xf32, #tpu.memory_space<vmem>>
        tpu.vector_store_idx %scatter3A_672[%shift_right_logical3A_585, %and3A_588, %add3A_596], %bitcast_convert_type3A_667 : memref<8x8x128xf32, #tpu.memory_space<vmem>>[vector<16xi32>, vector<16xi32>, vector<16xi32>], vector<16xf32>,
        %bitcast_convert_type3A_673 = tpu.bitcast %gather3A_635 : vector<16xi32> -> vector<16xf32>
        %scatter3A_674 = arith.constant 0 : i32
        %scatter3A_675 = arith.constant 0 : i32
        %scatter3A_676 = arith.constant 0 : i32
        %scatter3A_677 = tpu.memref_slice %arg7[%rem3A_139, %scatter3A_674, %scatter3A_675, %scatter3A_676] : memref<2x8x8x128xf32, #tpu.memory_space<vmem>> -> memref<1x8x8x128xf32, #tpu.memory_space<vmem>>
        %scatter3A_678 = tpu.memref_squeeze %scatter3A_677 : memref<1x8x8x128xf32, #tpu.memory_space<vmem>> -> memref<8x8x128xf32, #tpu.memory_space<vmem>>
        tpu.vector_store_idx %scatter3A_678[%shift_right_logical3A_585, %and3A_588, %add3A_600], %bitcast_convert_type3A_673 : memref<8x8x128xf32, #tpu.memory_space<vmem>>[vector<16xi32>, vector<16xi32>, vector<16xi32>], vector<16xf32>,
        %bitcast_convert_type3A_679 = tpu.bitcast %gather3A_640 : vector<16xi32> -> vector<16xf32>
        %scatter3A_680 = arith.constant 0 : i32
        %scatter3A_681 = arith.constant 0 : i32
        %scatter3A_682 = arith.constant 0 : i32
        %scatter3A_683 = tpu.memref_slice %arg7[%rem3A_139, %scatter3A_680, %scatter3A_681, %scatter3A_682] : memref<2x8x8x128xf32, #tpu.memory_space<vmem>> -> memref<1x8x8x128xf32, #tpu.memory_space<vmem>>
        %scatter3A_684 = tpu.memref_squeeze %scatter3A_683 : memref<1x8x8x128xf32, #tpu.memory_space<vmem>> -> memref<8x8x128xf32, #tpu.memory_space<vmem>>
        tpu.vector_store_idx %scatter3A_684[%shift_right_logical3A_585, %and3A_588, %add3A_604], %bitcast_convert_type3A_679 : memref<8x8x128xf32, #tpu.memory_space<vmem>>[vector<16xi32>, vector<16xi32>, vector<16xi32>], vector<16xf32>,
        %bitcast_convert_type3A_685 = tpu.bitcast %gather3A_645 : vector<16xi32> -> vector<16xf32>
        %scatter3A_686 = arith.constant 0 : i32
        %scatter3A_687 = arith.constant 0 : i32
        %scatter3A_688 = arith.constant 0 : i32
        %scatter3A_689 = tpu.memref_slice %arg7[%rem3A_139, %scatter3A_686, %scatter3A_687, %scatter3A_688] : memref<2x8x8x128xf32, #tpu.memory_space<vmem>> -> memref<1x8x8x128xf32, #tpu.memory_space<vmem>>
        %scatter3A_690 = tpu.memref_squeeze %scatter3A_689 : memref<1x8x8x128xf32, #tpu.memory_space<vmem>> -> memref<8x8x128xf32, #tpu.memory_space<vmem>>
        tpu.vector_store_idx %scatter3A_690[%shift_right_logical3A_585, %and3A_588, %add3A_608], %bitcast_convert_type3A_685 : memref<8x8x128xf32, #tpu.memory_space<vmem>>[vector<16xi32>, vector<16xi32>, vector<16xi32>], vector<16xf32>,
        %bitcast_convert_type3A_691 = tpu.bitcast %gather3A_650 : vector<16xi32> -> vector<16xf32>
        %scatter3A_692 = arith.constant 0 : i32
        %scatter3A_693 = arith.constant 0 : i32
        %scatter3A_694 = arith.constant 0 : i32
        %scatter3A_695 = tpu.memref_slice %arg7[%rem3A_139, %scatter3A_692, %scatter3A_693, %scatter3A_694] : memref<2x8x8x128xf32, #tpu.memory_space<vmem>> -> memref<1x8x8x128xf32, #tpu.memory_space<vmem>>
        %scatter3A_696 = tpu.memref_squeeze %scatter3A_695 : memref<1x8x8x128xf32, #tpu.memory_space<vmem>> -> memref<8x8x128xf32, #tpu.memory_space<vmem>>
        tpu.vector_store_idx %scatter3A_696[%shift_right_logical3A_585, %and3A_588, %add3A_612], %bitcast_convert_type3A_691 : memref<8x8x128xf32, #tpu.memory_space<vmem>>[vector<16xi32>, vector<16xi32>, vector<16xi32>], vector<16xf32>,
        %bitcast_convert_type3A_697 = tpu.bitcast %gather3A_655 : vector<16xi32> -> vector<16xf32>
        %scatter3A_698 = arith.constant 0 : i32
        %scatter3A_699 = arith.constant 0 : i32
        %scatter3A_700 = arith.constant 0 : i32
        %scatter3A_701 = tpu.memref_slice %arg7[%rem3A_139, %scatter3A_698, %scatter3A_699, %scatter3A_700] : memref<2x8x8x128xf32, #tpu.memory_space<vmem>> -> memref<1x8x8x128xf32, #tpu.memory_space<vmem>>
        %scatter3A_702 = tpu.memref_squeeze %scatter3A_701 : memref<1x8x8x128xf32, #tpu.memory_space<vmem>> -> memref<8x8x128xf32, #tpu.memory_space<vmem>>
        tpu.vector_store_idx %scatter3A_702[%shift_right_logical3A_585, %and3A_588, %add3A_616], %bitcast_convert_type3A_697 : memref<8x8x128xf32, #tpu.memory_space<vmem>>[vector<16xi32>, vector<16xi32>, vector<16xi32>], vector<16xf32>,
        %bitcast_convert_type3A_703 = tpu.bitcast %gather3A_660 : vector<16xi32> -> vector<16xf32>
        %scatter3A_704 = arith.constant 0 : i32
        %scatter3A_705 = arith.constant 0 : i32
        %scatter3A_706 = arith.constant 0 : i32
        %scatter3A_707 = tpu.memref_slice %arg7[%rem3A_139, %scatter3A_704, %scatter3A_705, %scatter3A_706] : memref<2x8x8x128xf32, #tpu.memory_space<vmem>> -> memref<1x8x8x128xf32, #tpu.memory_space<vmem>>
        %scatter3A_708 = tpu.memref_squeeze %scatter3A_707 : memref<1x8x8x128xf32, #tpu.memory_space<vmem>> -> memref<8x8x128xf32, #tpu.memory_space<vmem>>
        tpu.vector_store_idx %scatter3A_708[%shift_right_logical3A_585, %and3A_588, %add3A_620], %bitcast_convert_type3A_703 : memref<8x8x128xf32, #tpu.memory_space<vmem>>[vector<16xi32>, vector<16xi32>, vector<16xi32>], vector<16xf32>,
      }
      %scan3A_165 = arith.constant 16 : i32
      %dma_start3A_166 = arith.constant 0 : i32
      %dma_start3A_167 = arith.constant 0 : i32
      %dma_start3A_168 = arith.constant 0 : i32
      %dma_start3A_169 = tpu.memref_slice %arg7[%rem3A_139, %dma_start3A_166, %dma_start3A_167, %dma_start3A_168] : memref<2x8x8x128xf32, #tpu.memory_space<vmem>> -> memref<1x8x8x128xf32, #tpu.memory_space<vmem>>
      %dma_start3A_170 = tpu.memref_squeeze %dma_start3A_169 : memref<1x8x8x128xf32, #tpu.memory_space<vmem>> -> memref<8x8x128xf32, #tpu.memory_space<vmem>>
      %dma_start3A_171 = arith.constant 0 : i32
      %dma_start3A_172 = arith.constant 0 : i32
      %dma_start3A_173 = arith.constant 0 : i32
      %dma_start3A_174 = tpu.memref_slice %arg4[%add3A_135, %dma_start3A_171, %add3A, %dma_start3A_172, %dma_start3A_173] : memref<200x8x32x8x128xf32, #tpu.memory_space<hbm>> -> memref<1x8x1x8x128xf32, #tpu.memory_space<hbm>>
      %dma_start3A_175 = tpu.memref_squeeze %dma_start3A_174 : memref<1x8x1x8x128xf32, #tpu.memory_space<hbm>> -> memref<8x8x128xf32, #tpu.memory_space<hbm>>
      %dma_start3A_176 = tpu.memref_slice %arg9[%rem3A_139] : memref<2x!tpu.dma_semaphore, #tpu.memory_space<semaphore_mem>> -> memref<1x!tpu.dma_semaphore, #tpu.memory_space<semaphore_mem>>
      %dma_start3A_177 = tpu.memref_squeeze %dma_start3A_176 : memref<1x!tpu.dma_semaphore, #tpu.memory_space<semaphore_mem>> -> memref<!tpu.dma_semaphore, #tpu.memory_space<semaphore_mem>>
      %dma_start3A_178 = arith.constant 0 : i32
      %dma_start3A_179 = arith.constant 0 : i32
      %dma_start3A_180 = arith.constant 0 : i32
      %dma_start3A_181 = tpu.memref_slice %arg4[%add3A_135, %dma_start3A_178, %add3A, %dma_start3A_179, %dma_start3A_180] : memref<200x8x32x8x128xf32, #tpu.memory_space<hbm>> -> memref<1x8x1x8x128xf32, #tpu.memory_space<hbm>>
      %dma_start3A_182 = tpu.memref_squeeze %dma_start3A_181 : memref<1x8x1x8x128xf32, #tpu.memory_space<hbm>> -> memref<8x8x128xf32, #tpu.memory_space<hbm>>
      %dma_start3A_183 = arith.constant 0 : i32
      %dma_start3A_184 = arith.constant 0 : i32
      %dma_start3A_185 = arith.constant 0 : i32
      %dma_start3A_186 = tpu.memref_slice %arg7[%rem3A_139, %dma_start3A_183, %dma_start3A_184, %dma_start3A_185] : memref<2x8x8x128xf32, #tpu.memory_space<vmem>> -> memref<1x8x8x128xf32, #tpu.memory_space<vmem>>
      %dma_start3A_187 = tpu.memref_squeeze %dma_start3A_186 : memref<1x8x8x128xf32, #tpu.memory_space<vmem>> -> memref<8x8x128xf32, #tpu.memory_space<vmem>>
      tpu.enqueue_dma source(%dma_start3A_187 : memref<8x8x128xf32, #tpu.memory_space<vmem>>) target(%dma_start3A_182 : memref<8x8x128xf32, #tpu.memory_space<hbm>>) target_semaphore(%dma_start3A_177 : memref<!tpu.dma_semaphore, #tpu.memory_space<semaphore_mem>>)
    }
    %scan3A_80 = arith.constant 200 : i32
    %rem3A = arith.constant 198 : i32
    %rem3A_81 = arith.constant 2 : i32
    %rem3A_82 = arith.remsi %rem3A, %rem3A_81 : i32
    %dma_wait3A = arith.constant 198 : i32
    %dma_wait3A_83 = arith.constant 0 : i32
    %dma_wait3A_84 = arith.constant 0 : i32
    %dma_wait3A_85 = arith.constant 0 : i32
    %dma_wait3A_86 = tpu.memref_slice %arg7[%rem3A_82, %dma_wait3A_83, %dma_wait3A_84, %dma_wait3A_85] : memref<2x8x8x128xf32, #tpu.memory_space<vmem>> -> memref<1x8x8x128xf32, #tpu.memory_space<vmem>>
    %dma_wait3A_87 = tpu.memref_squeeze %dma_wait3A_86 : memref<1x8x8x128xf32, #tpu.memory_space<vmem>> -> memref<8x8x128xf32, #tpu.memory_space<vmem>>
    %dma_wait3A_88 = arith.constant 0 : i32
    %dma_wait3A_89 = arith.constant 0 : i32
    %dma_wait3A_90 = arith.constant 0 : i32
    %dma_wait3A_91 = tpu.memref_slice %arg4[%dma_wait3A, %dma_wait3A_88, %add3A, %dma_wait3A_89, %dma_wait3A_90] : memref<200x8x32x8x128xf32, #tpu.memory_space<hbm>> -> memref<1x8x1x8x128xf32, #tpu.memory_space<hbm>>
    %dma_wait3A_92 = tpu.memref_squeeze %dma_wait3A_91 : memref<1x8x1x8x128xf32, #tpu.memory_space<hbm>> -> memref<8x8x128xf32, #tpu.memory_space<hbm>>
    %dma_wait3A_93 = tpu.memref_slice %arg9[%rem3A_82] : memref<2x!tpu.dma_semaphore, #tpu.memory_space<semaphore_mem>> -> memref<1x!tpu.dma_semaphore, #tpu.memory_space<semaphore_mem>>
    %dma_wait3A_94 = tpu.memref_squeeze %dma_wait3A_93 : memref<1x!tpu.dma_semaphore, #tpu.memory_space<semaphore_mem>> -> memref<!tpu.dma_semaphore, #tpu.memory_space<semaphore_mem>>
    %dma_wait3A_95 = arith.constant 0 : i32
    %dma_wait3A_96 = arith.constant 0 : i32
    %dma_wait3A_97 = arith.constant 0 : i32
    %dma_wait3A_98 = tpu.memref_slice %arg4[%dma_wait3A, %dma_wait3A_95, %add3A, %dma_wait3A_96, %dma_wait3A_97] : memref<200x8x32x8x128xf32, #tpu.memory_space<hbm>> -> memref<1x8x1x8x128xf32, #tpu.memory_space<hbm>>
    %dma_wait3A_99 = tpu.memref_squeeze %dma_wait3A_98 : memref<1x8x1x8x128xf32, #tpu.memory_space<hbm>> -> memref<8x8x128xf32, #tpu.memory_space<hbm>>
    %dma_wait3A_100 = arith.constant 0 : i32
    %dma_wait3A_101 = arith.constant 0 : i32
    %dma_wait3A_102 = arith.constant 0 : i32
    %dma_wait3A_103 = tpu.memref_slice %arg7[%rem3A_82, %dma_wait3A_100, %dma_wait3A_101, %dma_wait3A_102] : memref<2x8x8x128xf32, #tpu.memory_space<vmem>> -> memref<1x8x8x128xf32, #tpu.memory_space<vmem>>
    %dma_wait3A_104 = tpu.memref_squeeze %dma_wait3A_103 : memref<1x8x8x128xf32, #tpu.memory_space<vmem>> -> memref<8x8x128xf32, #tpu.memory_space<vmem>>
    tpu.wait_dma2 semaphore(%dma_wait3A_94 : memref<!tpu.dma_semaphore, #tpu.memory_space<semaphore_mem>>) src(%dma_wait3A_104 : memref<8x8x128xf32, #tpu.memory_space<vmem>>) dst(%dma_wait3A_99 : memref<8x8x128xf32, #tpu.memory_space<hbm>>)
    %rem3A_105 = arith.constant 199 : i32
    %rem3A_106 = arith.constant 2 : i32
    %rem3A_107 = arith.remsi %rem3A_105, %rem3A_106 : i32
    %dma_wait3A_108 = arith.constant 199 : i32
    %dma_wait3A_109 = arith.constant 0 : i32
    %dma_wait3A_110 = arith.constant 0 : i32
    %dma_wait3A_111 = arith.constant 0 : i32
    %dma_wait3A_112 = tpu.memref_slice %arg7[%rem3A_107, %dma_wait3A_109, %dma_wait3A_110, %dma_wait3A_111] : memref<2x8x8x128xf32, #tpu.memory_space<vmem>> -> memref<1x8x8x128xf32, #tpu.memory_space<vmem>>
    %dma_wait3A_113 = tpu.memref_squeeze %dma_wait3A_112 : memref<1x8x8x128xf32, #tpu.memory_space<vmem>> -> memref<8x8x128xf32, #tpu.memory_space<vmem>>
    %dma_wait3A_114 = arith.constant 0 : i32
    %dma_wait3A_115 = arith.constant 0 : i32
    %dma_wait3A_116 = arith.constant 0 : i32
    %dma_wait3A_117 = tpu.memref_slice %arg4[%dma_wait3A_108, %dma_wait3A_114, %add3A, %dma_wait3A_115, %dma_wait3A_116] : memref<200x8x32x8x128xf32, #tpu.memory_space<hbm>> -> memref<1x8x1x8x128xf32, #tpu.memory_space<hbm>>
    %dma_wait3A_118 = tpu.memref_squeeze %dma_wait3A_117 : memref<1x8x1x8x128xf32, #tpu.memory_space<hbm>> -> memref<8x8x128xf32, #tpu.memory_space<hbm>>
    %dma_wait3A_119 = tpu.memref_slice %arg9[%rem3A_107] : memref<2x!tpu.dma_semaphore, #tpu.memory_space<semaphore_mem>> -> memref<1x!tpu.dma_semaphore, #tpu.memory_space<semaphore_mem>>
    %dma_wait3A_120 = tpu.memref_squeeze %dma_wait3A_119 : memref<1x!tpu.dma_semaphore, #tpu.memory_space<semaphore_mem>> -> memref<!tpu.dma_semaphore, #tpu.memory_space<semaphore_mem>>
    %dma_wait3A_121 = arith.constant 0 : i32
    %dma_wait3A_122 = arith.constant 0 : i32
    %dma_wait3A_123 = arith.constant 0 : i32
    %dma_wait3A_124 = tpu.memref_slice %arg4[%dma_wait3A_108, %dma_wait3A_121, %add3A, %dma_wait3A_122, %dma_wait3A_123] : memref<200x8x32x8x128xf32, #tpu.memory_space<hbm>> -> memref<1x8x1x8x128xf32, #tpu.memory_space<hbm>>
    %dma_wait3A_125 = tpu.memref_squeeze %dma_wait3A_124 : memref<1x8x1x8x128xf32, #tpu.memory_space<hbm>> -> memref<8x8x128xf32, #tpu.memory_space<hbm>>
    %dma_wait3A_126 = arith.constant 0 : i32
    %dma_wait3A_127 = arith.constant 0 : i32
    %dma_wait3A_128 = arith.constant 0 : i32
    %dma_wait3A_129 = tpu.memref_slice %arg7[%rem3A_107, %dma_wait3A_126, %dma_wait3A_127, %dma_wait3A_128] : memref<2x8x8x128xf32, #tpu.memory_space<vmem>> -> memref<1x8x8x128xf32, #tpu.memory_space<vmem>>
    %dma_wait3A_130 = tpu.memref_squeeze %dma_wait3A_129 : memref<1x8x8x128xf32, #tpu.memory_space<vmem>> -> memref<8x8x128xf32, #tpu.memory_space<vmem>>
    tpu.wait_dma2 semaphore(%dma_wait3A_120 : memref<!tpu.dma_semaphore, #tpu.memory_space<semaphore_mem>>) src(%dma_wait3A_130 : memref<8x8x128xf32, #tpu.memory_space<vmem>>) dst(%dma_wait3A_125 : memref<8x8x128xf32, #tpu.memory_space<hbm>>)
    return
  }
}

</mosaic_0001>

<sc_bundles>
// kernel: kernel.3.cloned.1.call-start
scs
__scs_entry_jumppad:
0x0: {  	(pc) =	sbr.rel $0x88, $3  }
0x1: {  	(tag) =	ssettag $0x0;
	lr =	simm.s32 $0x1  }
0x2: {  	[smem:$0x3F9F] =	sst lr;
	_ =	strace $0xD0000000  }
0x3: {  	_ = 	snop  }
0x4: {  	_ = 	snop  }
0x5: {  	_ = 	snop  }
0x6: {  	_ = 	snop  }
0x7: {  	_ = 	snop  }
__scs_overlays_trampoline_lowered:
0x8: {  	[smem:$0x3FAE] =	sst s0  }
0x9: {  	[smem:$0x3FAF] =	sst s1  }
0xa: {  	[smem:$0x3FB0] =	sst s2  }
0xb: {  	[smem:$0x3FB1] =	sst s3  }
0xc: {  	[smem:$0x3FB2] =	sst s4  }
0xd: {  	[smem:$0x3FB3] =	sst s5  }
0xe: {  	[smem:$0x3FB4] =	sst s6  }
0xf: {  	[smem:$0x3FB5] =	sst s7  }
0x10: {  	[smem:$0x3FB6] =	sst s8  }
0x11: {  	[smem:$0x3FB7] =	sst s9;
	s0 =	simm.s32 @!p0 $0x0  }
0x12: {  	s1 =	sld [smem:$0x3F9D];
	s0 =	simm.s32 @p0 $0x1  }
0x13: {  	[smem:$0x3FB8] =	sst s0;
	s0 =	simm.s32 @!p1 $0x0  }
0x14: {  	s2 =	sld [smem:$0x3F9C];
	s0 =	simm.s32 @p1 $0x1  }
0x15: {  	[smem:$0x3FB9] =	sst s0;
	s0 =	simm.s32 @!p2 $0x0  }
0x16: {  	s3 =	sld [smem:$0x3FDB];
	s0 =	simm.s32 @p2 $0x1  }
0x17: {  	s4 =	simm.s32 $0x1BF5;
	[smem:$0x3FBB] =	sst s0  }
0x18: {  	s0 =	sld [smem:$0x3F9E];
	_ =	swait.ge [sflag:s4], $0x0  }
0x19: {  	s7 =	sld [smem:$0x3F9F]  }
0x1a: {  	s8 =	sadd.s32 $0xFFFFE003, lr  }
0x1b: {  	s9 =	sadd.s32 $0xFFFFFEF7, lr;
	s5 =	simm.s32 $0xFFFFFFFF;
	p2 =	slt.u32 s8, $0xFFFFF086  }
0x1c: {  	p1 =	slt.u32 s9, $0xF7A;
	s5 =	simm.s32 @!p2 $0x0  }
0x1d: {  	s5 =	simm.s32 @p1 $0x1;
	p0 =	seq.s32 s7, s2  }
0x1e: {  	s7 =	smul.u32 @!p0 $0xF7A, s2;
	p2 =	seq.s32 @!p0 s5, $0x0  }
0x1f: {  	s9 =	smul.u32 $0xF7A, s1;
	s8 =	simm.s32 @!p0 $0x1BF5;
	p2 =	por !p2, p0  }
0x20: {  	[sflag:s8] =	ssyncset.s32 @!p0 $0xFFFFF086;
	s6 =	sadd.s32 @!p0 s3, s7;
	s7 =	simm.s32 @!p0 $0x108  }
0x21: {  	s3 =	sadd.s32 s3, s9;
	s6 =	sadd.s32 @!p0 $0x88, s6;
	s7 =	simm.s32 @p2 $0x1082  }
0x22: {  	[simem:s7], [sflag:s8] =	dma.local @!p0 [hbm:s6], $0xF7A  }
0x23: {  	s9 =	sor.u32 $0xD0000000, s2;
	s6 =	simm.s32 $0x108;
	_ =	swait.ge @!p0 [sflag:s8], $0x0  }
0x24: {  	s3 =	sadd.s32 $0x88, s3;
	s6 =	simm.s32 @!p1 $0x1082;
	[sflag:s4] =	ssyncset.s32 $0xFFFFF086  }
0x25: {  	[simem:s6], [sflag:s4] =	dma.local [hbm:s3], $0xF7A  }
0x26: {  	[smem:$0x3F9F] =	sst s1;
	(tag) =	ssettag s2;
	_ =	strace s9  }
0x27: {  	s1 =	sld [smem:$0x3FAF]  }
0x28: {  	s2 =	sld [smem:$0x3FB0]  }
0x29: {  	s4 =	sld [smem:$0x3FB2]  }
0x2a: {  	p0 =	seq.s32 s5, $0x0;
	s5 =	sld [smem:$0x3FB3]  }
0x2b: {  	s6 =	sld [smem:$0x3FB4]  }
0x2c: {  	s7 =	sld [smem:$0x3FB5]  }
0x2d: {  	s3 =	simm.s32 $0x108;
	s8 =	sld [smem:$0x3FB6]  }
0x2e: {  	s3 =	simm.s32 @!p0 $0x1082;
	s9 =	sld [smem:$0x3FB7]  }
0x2f: {  	lr =	sadd.s32 s0, s3;
	s0 =	sld [smem:$0x3FAE]  }
0x30: {  	s3 =	sld [smem:$0x3FB1]  }
0x31: {  	[smem:$0x3FBA] =	sst s10  }
0x32: {  	s10 =	sld [smem:$0x3FB8];
	_ =	sdelay $0x3  }
0x33: {  	p0 =	seq.s32 s10, $0x1;
	s10 =	sld [smem:$0x3FBA];
	_ =	sdelay $0x3  }
0x34: {  	[smem:$0x3FBA] =	sst s10  }
0x35: {  	s10 =	sld [smem:$0x3FB9];
	_ =	sdelay $0x3  }
0x36: {  	p1 =	seq.s32 s10, $0x1;
	s10 =	sld [smem:$0x3FBA];
	_ =	sdelay $0x3  }
0x37: {  	[smem:$0x3FBA] =	sst s10  }
0x38: {  	s10 =	sld [smem:$0x3FBB]  }
0x39: {  	_ = 	snop;
	(pc) =	sbr.ind lr, $3  }
0x3a: {  	_ = 	snop  }
0x3b: {  	_ = 	snop  }
0x3c: {  	p2 =	seq.s32 s10, $0x1;
	s10 =	sld [smem:$0x3FBA]  }
0x3d: {  	_ =	shalt  }
0x3e: {  	_ =	shalt  }
0x3f: {  	_ =	shalt  }
0x40: {  	_ =	shalt  }
0x41: {  	_ =	shalt  }
0x42: {  	_ =	shalt  }
0x43: {  	_ =	shalt  }
0x44: {  	_ =	shalt  }
0x45: {  	_ =	shalt  }
0x46: {  	_ =	shalt  }
0x47: {  	_ =	shalt  }
0x48: {  	_ =	shalt  }
0x49: {  	_ =	shalt  }
0x4a: {  	_ =	shalt  }
0x4b: {  	_ =	shalt  }
0x4c: {  	_ =	shalt  }
0x4d: {  	_ =	shalt  }
0x4e: {  	_ =	shalt  }
0x4f: {  	_ =	shalt  }
0x50: {  	_ =	shalt  }
0x51: {  	_ =	shalt  }
0x52: {  	_ =	shalt  }
0x53: {  	_ =	shalt  }
0x54: {  	_ =	shalt  }
0x55: {  	_ =	shalt  }
0x56: {  	_ =	shalt  }
0x57: {  	_ =	shalt  }
0x58: {  	_ =	shalt  }
0x59: {  	_ =	shalt  }
0x5a: {  	_ =	shalt  }
0x5b: {  	_ =	shalt  }
0x5c: {  	_ =	shalt  }
0x5d: {  	_ =	shalt  }
0x5e: {  	_ =	shalt  }
0x5f: {  	_ =	shalt  }
0x60: {  	_ =	shalt  }
0x61: {  	_ =	shalt  }
0x62: {  	_ =	shalt  }
0x63: {  	_ =	shalt  }
0x64: {  	_ =	shalt  }
0x65: {  	_ =	shalt  }
0x66: {  	_ =	shalt  }
0x67: {  	_ =	shalt  }
0x68: {  	_ =	shalt  }
0x69: {  	_ =	shalt  }
0x6a: {  	_ =	shalt  }
0x6b: {  	_ =	shalt  }
0x6c: {  	_ =	shalt  }
0x6d: {  	_ =	shalt  }
0x6e: {  	_ =	shalt  }
0x6f: {  	_ =	shalt  }
0x70: {  	_ =	shalt  }
0x71: {  	_ =	shalt  }
0x72: {  	_ =	shalt  }
0x73: {  	_ =	shalt  }
0x74: {  	_ =	shalt  }
0x75: {  	_ =	shalt  }
0x76: {  	_ =	shalt  }
0x77: {  	_ =	shalt  }
0x78: {  	_ =	shalt  }
0x79: {  	_ =	shalt  }
0x7a: {  	_ =	shalt  }
0x7b: {  	_ =	shalt  }
0x7c: {  	_ =	shalt  }
0x7d: {  	_ =	shalt  }
0x7e: {  	_ =	shalt  }
0x7f: {  	_ =	shalt  }
0x80: {  	_ =	shalt  }
0x81: {  	_ =	shalt  }
0x82: {  	_ =	shalt  }
0x83: {  	_ =	shalt  }
0x84: {  	_ =	shalt  }
0x85: {  	_ =	shalt  }
0x86: {  	_ =	shalt  }
0x87: {  	_ =	shalt  }
.Lfunc_end0:
.L_simem_size_0:
called_computation.1_lowered:
.L_overlay_start_0:
0x88: {  	s2 =	sld [smem:$0x3FD9]  }
0x89: {  	s3 =	sld [smem:$0x3FFE];
	_ =	sdelay $0x1  }
0x8a: {  	s1 =	srdreg.scid  }
0x8b: {  	s0 =	sand.u32 $0x1, s1  }
0x8c: {  	s17 =	sshll.u32 s0, $0xA;
	s2 =	sadd.s32 s3, s2  }
0x8d: {  	s2 =	sadd.s32 s2, s17  }
0x8e: {  	[smem:$0x3FC6] =	sst s2  }
0x8f: {  	_ = 	snop  }
0x90: {  	s2 =	sld [smem:$0x3FD0];
	(tm) =	ssettm $0x1  }
0x91: {  	s18 =	sld [smem:$0x3FFB];
	_ =	sdelay $0x3  }
0x92: {  	_ =	strace s18  }
0x93: {  	s3 =	sld [smem:$0x3FFC];
	_ =	sdelay $0x3  }
0x94: {  	_ =	strace s3  }
0x95: {  	s3 =	sld [smem:$0x3FFD];
	_ =	sdelay $0x3  }
0x96: {  	_ =	strace s3  }
0x97: {  	_ =	strace $0x8FFFFFFF  }
0x98: {  	s19 =	sld [smem:$0x3FDB];
	_ =	sdelay $0x1  }
0x99: {  	s4 =	simm.s32 $_scs_section_size  }
0x9a: {  	s5 =	simm.s32 $_size__tile_overlayer_lowered;
	s6 =	simm.s32 $_tile_overlayer_lowered  }
0x9b: {  	s22 =	simm.s32 $0x1BFF;
	s21 =	sshll.u32 s6, $0x1;
	s3 =	sadd.s32 s4, s19  }
0x9c: {  	s7 =	simm.s32 $0x0;
	s20 =	sshll.u32 s5, $0x1;
	s5 =	sadd.s32 s21, s3  }
0x9d: {  	[timem:s7], [sflag:s22] =	dma.local [hbm:s5], s20  }
0x9e: {  	_ =	swait.ge [sflag:s22], s20  }
0x9f: {  	s4 =	ssub.s32 $0x0, s20;
	[sflag:s22] =	ssyncset.done $0x0  }
0xa0: {  	[sflag:s22] =	ssyncadd.s32 s4;
	_ =	sdelay $0x1  }
0xa1: {  	s23 =	simm.s32 $0x1B8B  }
0xa2: {  	_ =	swait.ge [sflag:s23], $0x1  }
0xa3: {  	[sflag:s23] =	ssyncset.done $0x0  }
0xa4: {  	s25 =	simm.s32 $0x1B8E;
	s24 =	sld [smem:$0x3FFE];
	[sflag:s23] =	ssyncadd.s32 $0xFFFFFFFF  }
0xa5: {  	s26 =	simm.s32 $execute0_lowered;
	[smem:$0x3FD2] =	sst s25  }
0xa6: {  	s5 =	sshll.u32 s26, $0x1;
	_ =	strace $0x80000049;
	[dreg:$0x1] =	wrdreg $0xFFFFFFFF  }
0xa7: {  	s28 =	simm.s32 $_size_execute0_lowered;
	s3 =	sadd.s32 s3, s5;
	[dreg:$0x0] =	wrdreg $0x0  }
0xa8: {  	s5 =	sshll.u32 s28, $0x1;
	[dreg:$0x2] =	wrdreg s3  }
0xa9: {  	[dreg:$0x3] =	wrdreg s5  }
0xaa: {  	[dreg:$0x4] =	wrdreg $0xC0  }
0xab: {  	_ =	task [dreg:s7], $0x5FFFF  }
0xac: {  	[dreg:$0x1] =	wrdreg $0xFFFFFFFF  }
0xad: {  	[dreg:$0x0] =	wrdreg $0x60  }
0xae: {  	[dreg:$0x2] =	wrdreg s24  }
0xaf: {  	[dreg:$0x3] =	wrdreg s2  }
0xb0: {  	[dreg:$0x4] =	wrdreg $0x9  }
0xb1: {  	_ =	task.clear_ibuf [dreg:s7], $0x5FFFF;
	_ =	strace $0x90000049  }
0xb2: {  	s29 =	simm.s32 $0x9;
	_ =	strace $0x8000004B  }
0xb3: {  	_ =	swait.ge [sflag:s29], $0x1  }
0xb4: {  	[sflag:s29] =	ssyncadd.s32 $0xFFFFFFFF  }
0xb5: {  	_ =	strace $0x9000004B  }
0xb6: {  	_ =	sfence  }
0xb7: {  	s30 =	sld [smem:$0x0];
	_ =	sdelay $0x2  }
0xb8: {  	s31 =	sshll.u32 s1, $0xD;
	s1 =	sshrl.u32 s1, $0x2  }
0xb9: {  	s3 =	sand.u32 $0x4000, s31;
	s1 =	sadd.s32 s1, s30  }
0xba: {  	s0 =	sor.u32 s3, s0;
	s1 =	sshll.u32 s1, $0x11  }
0xbb: {  	s0 =	sor.u32 s1, s0  }
0xbc: {  	s0 =	sadd.s32 $0x8F2B, s0  }
0xbd: {  	[sflag:s0] =	ssyncadd.remote.s32 $0x1  }
0xbe: {  	_ =	sfence.sel $0xFFFF  }
0xbf: {  	[dreg:$0x0] =	wrdreg $0xFFFFFFFF;
	(pc) =	sbr.abs _section_cstart, $3  }
0xc0: {  	[dreg:$0x1] =	wrdreg $0xFFFFFFFF  }
0xc1: {  	_ =	task.clear_ibuf [dreg:s7], $0x2FFFF;
	_ =	strace $0x9FFFFFFF  }
0xc2: {  	(tm) =	ssettm $0x7FFFFFFF  }
0xc3: {  	_ =	shalt  }
tec
execute0_lowered:
.L_overlay_start_1:
0x0: {  	(tag) =	ssettag $0x1  }
0x1: {  	s4 =	rddreg [dreg:$0x0]  }
0x2: {  	s5 =	rddreg [dreg:$0x1]  }
0x3: {  	s0 =	rddreg [dreg:$0x2];
	s3 =	srdreg.scid  }
0x4: {  	s1 =	stileid.u32;
	s2 =	simm.s32 $0x0;
	s9 =	simm.s32 $0x9  }
0x5: {  	s10 =	simm.s32 $0x6400;
	s11 =	simm.s32 $0x8400;
	s12 =	simm.s32 $0x100  }
0x6: {  	s13 =	simm.s32 $0xA400;
	s14 =	simm.s32 $0x180;
	s15 =	simm.s32 $0xC400  }
0x7: {  	s16 =	simm.s32 $0x200;
	s17 =	simm.s32 $0xE400;
	s18 =	simm.s32 $0x400  }
0x8: {  	s19 =	simm.s32 $0x8000;
	s20 =	simm.s32 $0x7;
	s21 =	simm.s32 $0x8  }
0x9: {  	v0 =	vlaneseq.u32;
	s3 =	sand.u32 $0x1, s3;
	s6 =	sshll.u32 s1, $0x1;
	[smem:$0x7FF] =	sst s2  }
0xa: {  	s22 =	simm.s32 $0x0;
	v1 =	vmul.u32 $0x40, v0;
	v9 =	vor.u32 $0x10, v0;
	v10 =	vor.u32 $0x20, v0;
	s6 =	sor.u32 s3, s6;
	_ =	strace $0x8000004A  }
0xb: {  	v11 =	vor.u32 $0x30, v0;
	v12 =	vor.u32 $0x40, v0;
	v13 =	vor.u32 $0x50, v0;
	s8 =	ssub.s32 $0x2, s3;
	s3 =	sadd.s32 $0xA00, s4;
	s7 =	sshll.u32 s6, $0x4  }
0xc: {  	v14 =	vor.u32 $0x60, v0;
	v15 =	vor.u32 $0x70, v0;
	s31 =	sshrl.u32 s8, $0x1;
	s6 =	sshll.u32 s6, $0x7;
	v2 =	vor.u32 $0x400, v1;
	s4 =	sadd.s32 s7, s4  }
0xd: {  	v3 =	vor.u32 $0x800, v1;
	v4 =	vor.u32 $0xC00, v1;
	v5 =	vor.u32 $0x1000, v1;
	s7 =	ssub.s32 s8, s31;
	s5 =	sadd.s32 s5, s6;
	s8 =	simm.s32 $0x1000  }
0xe: {  	v6 =	vor.u32 $0x1400, v1;
	v7 =	vor.u32 $0x1800, v1;
	v8 =	vor.u32 $0x1C00, v1;
	s4 =	sadd.s32 $0x16E4200, s4;
	s6 =	smax.u32 s7, $0x1;
	s7 =	simm.s32 $0x80  }
.LBB2_1:
0xf: {  	[tilespmem:s2], [sflag:$0x9] =	stream.strided.gather [hbm4b:s4+s7], $0x6400, s8, s7, $0x38;
	[tilespmem:$0x16400] =	vst v63  }
0x10: {  	_ =	swait.ge [sflag:s9], $0x6400  }
0x11: {  	[sflag:s9] =	ssyncset.done $0x0  }
0x12: {  	[sflag:s9] =	ssyncadd.s32 $0xFFFF9C00  }
0x13: {  	[tilespmem:s10], [sflag:$0x1] =	stream.indirect.gather [hbm4b:s3+s7], $0x40, s2, s7, $0xb8;
	[tilespmem:$0x16400] =	vst v63  }
0x14: {  	_ = 	snop  }
0x15: {  	[tilespmem:s11], [sflag:$0x2] =	stream.indirect.gather [hbm4b:s3+s7], $0x40, s7, s7, $0xb8;
	[tilespmem:$0x16400] =	vst v63  }
0x16: {  	_ = 	snop  }
0x17: {  	[tilespmem:s13], [sflag:$0x3] =	stream.indirect.gather [hbm4b:s3+s7], $0x40, s12, s7, $0xb8;
	[tilespmem:$0x16400] =	vst v63  }
0x18: {  	_ = 	snop  }
0x19: {  	[tilespmem:s15], [sflag:$0x4] =	stream.indirect.gather [hbm4b:s3+s7], $0x40, s14, s7, $0xb8;
	[tilespmem:$0x16400] =	vst v63  }
0x1a: {  	s23 =	simm.s32 $0x0  }
0x1b: {  	[tilespmem:s17], [sflag:$0x5] =	stream.indirect.gather [hbm4b:s3+s7], $0x40, s16, s7, $0xb8;
	[tilespmem:$0x16400] =	vst v63  }
.LBB2_2:
0x1c: {  	p0 =	sgt.u32 s23, $0xC2  }
0x1d: {  	s24 =	sadd.s32 @!p0 $0x5, s23  }
0x1e: {  	s25 =	smul.u32 @!p0 $0xAB, s24;
	_ =	sdelay $0x1  }
0x1f: {  	s26 =	smul.u32 $0xAB, s23;
	s25 =	sshrl.u32 @!p0 s25, $0xA  }
0x20: {  	s25 =	sand.u32 @!p0 $0x3F, s25  }
0x21: {  	s26 =	sshrl.u32 s26, $0xA;
	s25 =	smul.u32 @!p0 $0x6, s25  }
0x22: {  	s26 =	sand.u32 $0x3F, s26  }
0x23: {  	s26 =	smul.u32 $0x6, s26;
	s25 =	ssub.s32 @!p0 s24, s25  }
0x24: {  	s29 =	simm.s32 @!p0 $0x80;
	s25 =	sand.u32 @!p0 $0xFF, s25  }
0x25: {  	s26 =	ssub.s32 s23, s26;
	s24 =	sshll.u32 @!p0 s24, $0x7;
	s28 =	sshll.u32 @!p0 s25, $0xD  }
0x26: {  	s24 =	sand.u32 @!p0 $0x3FFFFF80, s24;
	s25 =	sadd.s32 @!p0 $0x1, s25;
	s28 =	sadd.s32 @!p0 $0x6400, s28  }
0x27: {  	[tilespmem:s28], [sflag:s25] =	stream.indirect.gather @!p0 [hbm4b:s3+s29], $0x40, s24, s29, $0xb8;
	[tilespmem:$0x16400] =	vst v63  }
0x28: {  	s30 =	simm.s32 $0x0;
	s29 =	sand.u32 $0xFF, s26  }
0x29: {  	v16 =	vadd.s32 s30, v0;
	s26 =	sadd.s32 $0x1, s29  }
0x2a: {  	v17 =	vand.u32 $0xF, v16;
	_ =	swait.ge [sflag:s26], $0x2000  }
0x2b: {  	v18 =	vor.u32 v2, v17;
	s24 =	sand.u32 $0x1, s23;
	p0 =	slt.u32 s23, $0x2;
	[sflag:s26] =	ssyncset.done $0x0  }
0x2c: {  	v19 =	vor.u32 v4, v17;
	[sflag:s26] =	ssyncadd.s32 $0xFFFFE000;
	s26 =	sadd.s32 @!p0 $0x7, s24  }
0x2d: {  	v20 =	vor.u32 v1, v17;
	_ =	swait.ge @!p0 [sflag:s26], $0x2000  }
0x2e: {  	v21 =	vor.u32 v3, v17;
	s25 =	sshll.u32 s29, $0xD;
	[sflag:s26] =	ssyncset.done @!p0 $0x0  }
0x2f: {  	v22 =	vor.u32 v8, v17;
	s25 =	sadd.s32 $0x6400, s25;
	[sflag:s26] =	ssyncadd.s32 @!p0 $0xFFFFE000  }
0x30: {  	v24 =	vshll.u32 v16, $0x7;
	v23 =	vor.u32 v7, v17;
	v18 =	vld.idx.msk [tilespmem:v18+s25+$0x0], $0xffff  }
0x31: {  	v25 =	vor.u32 v5, v17;
	v26 =	vand.u32 $0x780, v24;
	v19 =	vld.idx.msk [tilespmem:v19+s25+$0x0], $0xffff  }
0x32: {  	v27 =	vor.u32 v6, v17;
	v28 =	vor.u32 v0, v26;
	v20 =	vld.idx.msk [tilespmem:v20+s25+$0x0], $0xffff  }
0x33: {  	v29 =	vor.u32 v9, v26;
	v21 =	vld.idx.msk [tilespmem:v21+s25+$0x0], $0xffff  }
0x34: {  	v30 =	vor.u32 v10, v26;
	v22 =	vld.idx.msk [tilespmem:v22+s25+$0x0], $0xffff  }
0x35: {  	v31 =	vor.u32 v11, v26;
	s31 =	sshll.u32 s24, $0xD;
	v23 =	vld.idx.msk [tilespmem:v23+s25+$0x0], $0xffff  }
0x36: {  	v32 =	vor.u32 v12, v26;
	s26 =	sadd.s32 $0x12400, s31;
	v25 =	vld.idx.msk [tilespmem:v25+s25+$0x0], $0xffff  }
0x37: {  	v27 =	vld.idx.msk [tilespmem:v27+s25+$0x0], $0xffff;
	[tilespmem:v28+s26+$0x0] =	vst.idx.msk $0xffff, v20;
	v20 =	vor.u32 v13, v26  }
0x38: {  	v28 =	vor.u32 $0x10, v16;
	[tilespmem:v29+s26+$0x0] =	vst.idx.msk $0xffff, v18;
	v18 =	vor.u32 v14, v26  }
0x39: {  	[tilespmem:v30+s26+$0x0] =	vst.idx.msk $0xffff, v21;
	v21 =	vor.u32 v15, v26;
	v26 =	vand.u32 $0x1F, v28  }
0x3a: {  	[tilespmem:v31+s26+$0x0] =	vst.idx.msk $0xffff, v19;
	v19 =	vor.u32 v3, v26  }
0x3b: {  	[tilespmem:v32+s26+$0x0] =	vst.idx.msk $0xffff, v25;
	v25 =	vor.u32 v2, v26  }
0x3c: {  	[tilespmem:v20+s26+$0x0] =	vst.idx.msk $0xffff, v27;
	v20 =	vor.u32 v1, v26  }
0x3d: {  	v27 =	vor.u32 v7, v26;
	[tilespmem:v18+s26+$0x0] =	vst.idx.msk $0xffff, v23  }
0x3e: {  	v18 =	vor.u32 v4, v26;
	[tilespmem:v21+s26+$0x0] =	vst.idx.msk $0xffff, v22;
	v22 =	vshll.u32 v28, $0x7  }
0x3f: {  	v24 =	vand.u32 $0x380, v24;
	v23 =	vor.u32 v8, v26;
	v19 =	vld.idx.msk [tilespmem:v19+s25+$0x0], $0xffff;
	v22 =	vand.u32 $0xC00, v22  }
0x40: {  	v21 =	vor.u32 v5, v26;
	v25 =	vld.idx.msk [tilespmem:v25+s25+$0x0], $0xffff;
	v22 =	vor.u32 v24, v22  }
0x41: {  	v26 =	vor.u32 v6, v26;
	v20 =	vld.idx.msk [tilespmem:v20+s25+$0x0], $0xffff;
	v28 =	vor.u32 v0, v22  }
0x42: {  	v29 =	vor.u32 v9, v22;
	v27 =	vld.idx.msk [tilespmem:v27+s25+$0x0], $0xffff  }
0x43: {  	v59 =	vor.u32 v10, v22;
	v18 =	vld.idx.msk [tilespmem:v18+s25+$0x0], $0xffff  }
0x44: {  	v60 =	vor.u32 v11, v22;
	v23 =	vld.idx.msk [tilespmem:v23+s25+$0x0], $0xffff  }
0x45: {  	v61 =	vor.u32 v12, v22;
	v21 =	vld.idx.msk [tilespmem:v21+s25+$0x0], $0xffff  }
0x46: {  	v17 =	vor.u32 $0x20, v17;
	v26 =	vld.idx.msk [tilespmem:v26+s25+$0x0], $0xffff;
	[tilespmem:v28+s26+$0x0] =	vst.idx.msk $0xffff, v20;
	v20 =	vor.u32 v13, v22  }
0x47: {  	v33 =	vand.u32 $0x28, v17;
	v28 =	vand.u32 $0x7, v16;
	[tilespmem:v29+s26+$0x0] =	vst.idx.msk $0xffff, v25;
	v25 =	vor.u32 v14, v22  }
0x48: {  	v28 =	vor.u32 v28, v33;
	[tilespmem:v59+s26+$0x0] =	vst.idx.msk $0xffff, v19;
	v19 =	vor.u32 v15, v22  }
0x49: {  	[tilespmem:v60+s26+$0x0] =	vst.idx.msk $0xffff, v18;
	v18 =	vor.u32 v3, v28  }
0x4a: {  	v22 =	vor.u32 v4, v28;
	[tilespmem:v61+s26+$0x0] =	vst.idx.msk $0xffff, v21  }
0x4b: {  	[tilespmem:v20+s26+$0x0] =	vst.idx.msk $0xffff, v26;
	v20 =	vor.u32 v1, v28  }
0x4c: {  	v21 =	vor.u32 v2, v28;
	[tilespmem:v25+s26+$0x0] =	vst.idx.msk $0xffff, v27  }
0x4d: {  	v17 =	vshll.u32 v17, $0x7;
	v26 =	vor.u32 v7, v28;
	[tilespmem:v19+s26+$0x0] =	vst.idx.msk $0xffff, v23  }
0x4e: {  	v17 =	vand.u32 $0x1400, v17;
	v25 =	vor.u32 v8, v28;
	v18 =	vld.idx.msk [tilespmem:v18+s25+$0x0], $0xffff  }
0x4f: {  	v17 =	vor.u32 v24, v17;
	v19 =	vor.u32 v5, v28;
	v22 =	vld.idx.msk [tilespmem:v22+s25+$0x0], $0xffff  }
0x50: {  	v27 =	vor.u32 v0, v17;
	v23 =	vor.u32 v6, v28;
	v20 =	vld.idx.msk [tilespmem:v20+s25+$0x0], $0xffff  }
0x51: {  	v28 =	vor.u32 v9, v17;
	v21 =	vld.idx.msk [tilespmem:v21+s25+$0x0], $0xffff  }
0x52: {  	v29 =	vor.u32 v10, v17;
	v26 =	vld.idx.msk [tilespmem:v26+s25+$0x0], $0xffff  }
0x53: {  	v62 =	vor.u32 v11, v17;
	v25 =	vld.idx.msk [tilespmem:v25+s25+$0x0], $0xffff  }
0x54: {  	v63 =	vor.u32 v12, v17;
	v19 =	vld.idx.msk [tilespmem:v19+s25+$0x0], $0xffff  }
0x55: {  	v23 =	vld.idx.msk [tilespmem:v23+s25+$0x0], $0xffff;
	[tilespmem:v27+s26+$0x0] =	vst.idx.msk $0xffff, v20;
	v20 =	vor.u32 v13, v17  }
0x56: {  	v16 =	vor.u32 $0x30, v16;
	[tilespmem:v28+s26+$0x0] =	vst.idx.msk $0xffff, v21;
	v21 =	vor.u32 v14, v17  }
0x57: {  	v28 =	vand.u32 $0x3F, v16;
	v17 =	vor.u32 v15, v17;
	[tilespmem:v29+s26+$0x0] =	vst.idx.msk $0xffff, v18  }
0x58: {  	[tilespmem:v62+s26+$0x0] =	vst.idx.msk $0xffff, v22;
	v22 =	vor.u32 v2, v28  }
0x59: {  	v27 =	vor.u32 v1, v28;
	[tilespmem:v63+s26+$0x0] =	vst.idx.msk $0xffff, v19  }
0x5a: {  	[tilespmem:v20+s26+$0x0] =	vst.idx.msk $0xffff, v23  }
0x5b: {  	v18 =	vor.u32 v3, v28;
	[tilespmem:v21+s26+$0x0] =	vst.idx.msk $0xffff, v26  }
0x5c: {  	v21 =	vor.u32 v4, v28;
	[tilespmem:v17+s26+$0x0] =	vst.idx.msk $0xffff, v25  }
0x5d: {  	v23 =	vor.u32 v5, v28;
	v20 =	vld.idx.msk [tilespmem:v22+s25+$0x0], $0xffff  }
0x5e: {  	v16 =	vshll.u32 v16, $0x7;
	v22 =	vld.idx.msk [tilespmem:v27+s25+$0x0], $0xffff;
	v27 =	vor.u32 v6, v28  }
0x5f: {  	v16 =	vand.u32 $0x1C00, v16;
	v26 =	vor.u32 v8, v28  }
0x60: {  	v17 =	vor.u32 v24, v16;
	v25 =	vor.u32 v7, v28;
	v19 =	vld.idx.msk [tilespmem:v18+s25+$0x0], $0xffff  }
0x61: {  	v24 =	vor.u32 v0, v17;
	v18 =	vld.idx.msk [tilespmem:v21+s25+$0x0], $0xffff  }
0x62: {  	s28 =	simm.s32 $0x1;
	v16 =	vor.u32 v10, v17;
	v21 =	vld.idx.msk [tilespmem:v23+s25+$0x0], $0xffff;
	v23 =	vor.u32 v9, v17  }
.LBB2_3:
0x63: {  	p0 =	sne.s32 s28, $0xF;
	v27 =	vld.idx.msk [tilespmem:v27+s25+$0x0], $0xffff;
	s29 =	smov.u32 s28;
	s28 =	sadd.s32 $0x1, s28  }
0x64: {  	v28 =	vor.u32 v11, v17;
	v29 =	vor.u32 v14, v17;
	v30 =	vor.u32 v15, v17;
	v26 =	vld.idx.msk [tilespmem:v26+s25+$0x0], $0xffff  }
0x65: {  	v32 =	vor.u32 v12, v17;
	v17 =	vor.u32 v13, v17;
	v31 =	vadd.s32 s29, v0;
	v25 =	vld.idx.msk [tilespmem:v25+s25+$0x0], $0xffff  }
0x66: {  	v33 =	vand.u32 $0xF, v31;
	v34 =	vshll.u32 v31, $0x7;
	v35 =	vor.u32 $0x10, v31;
	[tilespmem:v24+s26+$0x0] =	vst.idx.msk $0xffff, v22  }
0x67: {  	v22 =	vand.u32 $0x7, v31;
	v24 =	vor.u32 v1, v33;
	v36 =	vor.u32 v2, v33;
	[tilespmem:v23+s26+$0x0] =	vst.idx.msk $0xffff, v20  }
0x68: {  	v37 =	vshll.u32 v35, $0x7;
	v20 =	vor.u32 v4, v33;
	v23 =	vor.u32 v5, v33;
	[tilespmem:v16+s26+$0x0] =	vst.idx.msk $0xffff, v19  }
0x69: {  	v38 =	vor.u32 v8, v33;
	v39 =	vand.u32 $0x780, v34;
	v19 =	vor.u32 v7, v33;
	[tilespmem:v28+s26+$0x0] =	vst.idx.msk $0xffff, v18  }
0x6a: {  	v16 =	vand.u32 $0x380, v34;
	v28 =	vor.u32 v3, v33;
	v18 =	vand.u32 $0xC00, v37;
	[tilespmem:v32+s26+$0x0] =	vst.idx.msk $0xffff, v21  }
0x6b: {  	v31 =	vor.u32 $0x30, v31;
	v21 =	vor.u32 v16, v18;
	v18 =	vor.u32 $0x20, v33;
	[tilespmem:v17+s26+$0x0] =	vst.idx.msk $0xffff, v27  }
0x6c: {  	v27 =	vor.u32 v6, v33;
	v17 =	vand.u32 $0x28, v18;
	v18 =	vshll.u32 v18, $0x7;
	[tilespmem:v29+s26+$0x0] =	vst.idx.msk $0xffff, v25  }
0x6d: {  	v25 =	vor.u32 v0, v39;
	v22 =	vor.u32 v22, v17;
	v17 =	vshll.u32 v31, $0x7;
	[tilespmem:v30+s26+$0x0] =	vst.idx.msk $0xffff, v26  }
0x6e: {  	v29 =	vand.u32 $0x1400, v18;
	v18 =	vand.u32 $0x3F, v31;
	v17 =	vand.u32 $0x1C00, v17;
	v26 =	vld.idx.msk [tilespmem:v36+s25+$0x0], $0xffff  }
0x6f: {  	v29 =	vor.u32 v16, v29;
	v17 =	vor.u32 v16, v17;
	v20 =	vld.idx.msk [tilespmem:v20+s25+$0x0], $0xffff  }
0x70: {  	v16 =	vor.u32 v10, v17;
	v24 =	vld.idx.msk [tilespmem:v24+s25+$0x0], $0xffff  }
0x71: {  	v28 =	vld.idx.msk [tilespmem:v28+s25+$0x0], $0xffff  }
0x72: {  	v31 =	vor.u32 v9, v39;
	v30 =	vld.idx.msk [tilespmem:v38+s25+$0x0], $0xffff  }
0x73: {  	v32 =	vor.u32 v10, v39;
	v19 =	vld.idx.msk [tilespmem:v19+s25+$0x0], $0xffff  }
0x74: {  	v33 =	vor.u32 v11, v39;
	v23 =	vld.idx.msk [tilespmem:v23+s25+$0x0], $0xffff  }
0x75: {  	v34 =	vor.u32 v12, v39;
	v27 =	vld.idx.msk [tilespmem:v27+s25+$0x0], $0xffff  }
0x76: {  	[tilespmem:v25+s26+$0x0] =	vst.idx.msk $0xffff, v24;
	v24 =	vor.u32 v13, v39  }
0x77: {  	v25 =	vor.u32 v14, v39;
	[tilespmem:v31+s26+$0x0] =	vst.idx.msk $0xffff, v26  }
0x78: {  	v26 =	vor.u32 v15, v39;
	[tilespmem:v32+s26+$0x0] =	vst.idx.msk $0xffff, v28;
	v28 =	vand.u32 $0x1F, v35  }
0x79: {  	[tilespmem:v33+s26+$0x0] =	vst.idx.msk $0xffff, v20;
	v20 =	vor.u32 v3, v28  }
0x7a: {  	[tilespmem:v34+s26+$0x0] =	vst.idx.msk $0xffff, v23;
	v23 =	vor.u32 v2, v28  }
0x7b: {  	[tilespmem:v24+s26+$0x0] =	vst.idx.msk $0xffff, v27;
	v24 =	vor.u32 v1, v28  }
0x7c: {  	[tilespmem:v25+s26+$0x0] =	vst.idx.msk $0xffff, v19;
	v19 =	vor.u32 v4, v28  }
0x7d: {  	v25 =	vor.u32 v5, v28;
	[tilespmem:v26+s26+$0x0] =	vst.idx.msk $0xffff, v30  }
0x7e: {  	v26 =	vor.u32 v8, v28;
	v20 =	vld.idx.msk [tilespmem:v20+s25+$0x0], $0xffff  }
0x7f: {  	v27 =	vor.u32 v7, v28;
	v23 =	vld.idx.msk [tilespmem:v23+s25+$0x0], $0xffff  }
0x80: {  	v28 =	vor.u32 v6, v28;
	v24 =	vld.idx.msk [tilespmem:v24+s25+$0x0], $0xffff  }
0x81: {  	v30 =	vor.u32 v0, v21;
	v19 =	vld.idx.msk [tilespmem:v19+s25+$0x0], $0xffff  }
0x82: {  	v31 =	vor.u32 v9, v21;
	v25 =	vld.idx.msk [tilespmem:v25+s25+$0x0], $0xffff  }
0x83: {  	v32 =	vor.u32 v10, v21;
	v26 =	vld.idx.msk [tilespmem:v26+s25+$0x0], $0xffff  }
0x84: {  	v33 =	vor.u32 v11, v21;
	v27 =	vld.idx.msk [tilespmem:v27+s25+$0x0], $0xffff  }
0x85: {  	v34 =	vor.u32 v12, v21;
	v28 =	vld.idx.msk [tilespmem:v28+s25+$0x0], $0xffff  }
0x86: {  	[tilespmem:v30+s26+$0x0] =	vst.idx.msk $0xffff, v24;
	v24 =	vor.u32 v13, v21  }
0x87: {  	[tilespmem:v31+s26+$0x0] =	vst.idx.msk $0xffff, v23;
	v23 =	vor.u32 v14, v21  }
0x88: {  	[tilespmem:v32+s26+$0x0] =	vst.idx.msk $0xffff, v20;
	v20 =	vor.u32 v15, v21  }
0x89: {  	[tilespmem:v33+s26+$0x0] =	vst.idx.msk $0xffff, v19;
	v19 =	vor.u32 v3, v22  }
0x8a: {  	v21 =	vor.u32 v2, v22;
	[tilespmem:v34+s26+$0x0] =	vst.idx.msk $0xffff, v25  }
0x8b: {  	[tilespmem:v24+s26+$0x0] =	vst.idx.msk $0xffff, v28;
	v24 =	vor.u32 v1, v22  }
0x8c: {  	[tilespmem:v23+s26+$0x0] =	vst.idx.msk $0xffff, v27;
	v23 =	vor.u32 v4, v22  }
0x8d: {  	[tilespmem:v20+s26+$0x0] =	vst.idx.msk $0xffff, v26;
	v20 =	vor.u32 v5, v22  }
0x8e: {  	v25 =	vor.u32 v6, v22;
	v19 =	vld.idx.msk [tilespmem:v19+s25+$0x0], $0xffff  }
0x8f: {  	v26 =	vor.u32 v8, v22;
	v21 =	vld.idx.msk [tilespmem:v21+s25+$0x0], $0xffff  }
0x90: {  	v22 =	vor.u32 v7, v22;
	v24 =	vld.idx.msk [tilespmem:v24+s25+$0x0], $0xffff  }
0x91: {  	v27 =	vor.u32 v0, v29;
	v23 =	vld.idx.msk [tilespmem:v23+s25+$0x0], $0xffff  }
0x92: {  	v28 =	vor.u32 v9, v29;
	v20 =	vld.idx.msk [tilespmem:v20+s25+$0x0], $0xffff  }
0x93: {  	v30 =	vor.u32 v10, v29;
	v25 =	vld.idx.msk [tilespmem:v25+s25+$0x0], $0xffff  }
0x94: {  	v31 =	vor.u32 v11, v29;
	v26 =	vld.idx.msk [tilespmem:v26+s25+$0x0], $0xffff  }
0x95: {  	v32 =	vor.u32 v12, v29;
	v22 =	vld.idx.msk [tilespmem:v22+s25+$0x0], $0xffff  }
0x96: {  	[tilespmem:v27+s26+$0x0] =	vst.idx.msk $0xffff, v24;
	v24 =	vor.u32 v13, v29  }
0x97: {  	[tilespmem:v28+s26+$0x0] =	vst.idx.msk $0xffff, v21;
	v21 =	vor.u32 v14, v29  }
0x98: {  	[tilespmem:v30+s26+$0x0] =	vst.idx.msk $0xffff, v19;
	v19 =	vor.u32 v15, v29  }
0x99: {  	[tilespmem:v31+s26+$0x0] =	vst.idx.msk $0xffff, v23;
	v23 =	vor.u32 v3, v18  }
0x9a: {  	v28 =	vor.u32 v1, v18;
	[tilespmem:v32+s26+$0x0] =	vst.idx.msk $0xffff, v20;
	v20 =	vor.u32 v2, v18  }
0x9b: {  	[tilespmem:v24+s26+$0x0] =	vst.idx.msk $0xffff, v25  }
0x9c: {  	[tilespmem:v21+s26+$0x0] =	vst.idx.msk $0xffff, v22;
	v21 =	vor.u32 v4, v18  }
0x9d: {  	v29 =	vor.u32 v5, v18;
	[tilespmem:v19+s26+$0x0] =	vst.idx.msk $0xffff, v26  }
.Ltmp0:
0x9e: {  	v27 =	vor.u32 v6, v18;
	v19 =	vld.idx.msk [tilespmem:v23+s25+$0x0], $0xffff;
	(pc) =	sbr.rel @p0 .LBB2_3-.Ltmp0, $4  }
0x9f: {  	v26 =	vor.u32 v8, v18;
	v20 =	vld.idx.msk [tilespmem:v20+s25+$0x0], $0xffff  }
0xa0: {  	v25 =	vor.u32 v7, v18;
	v22 =	vld.idx.msk [tilespmem:v28+s25+$0x0], $0xffff  }
0xa1: {  	v24 =	vor.u32 v0, v17;
	v18 =	vld.idx.msk [tilespmem:v21+s25+$0x0], $0xffff  }
0xa2: {  	v23 =	vor.u32 v9, v17;
	v21 =	vld.idx.msk [tilespmem:v29+s25+$0x0], $0xffff  }
0xa3: {  	_ =	sdelay $0x3  }
0xa4: {  	v27 =	vld.idx.msk [tilespmem:v27+s25+$0x0], $0xffff;
	v28 =	vor.u32 v11, v17  }
0xa5: {  	v26 =	vld.idx.msk [tilespmem:v26+s25+$0x0], $0xffff;
	v29 =	vor.u32 v12, v17  }
0xa6: {  	v25 =	vld.idx.msk [tilespmem:v25+s25+$0x0], $0xffff;
	v30 =	vor.u32 v13, v17;
	[tilespmem:v24+s26+$0x0] =	vst.idx.msk $0xffff, v22  }
0xa7: {  	v63 =	vor.u32 v14, v17;
	[tilespmem:v23+s26+$0x0] =	vst.idx.msk $0xffff, v20  }
0xa8: {  	v17 =	vor.u32 v15, v17;
	s31 =	sshll.u32 s23, $0xF;
	s23 =	sadd.s32 $0x1, s23;
	[tilespmem:v16+s26+$0x0] =	vst.idx.msk $0xffff, v19  }
0xa9: {  	p0 =	sne.s32 s23, $0xC8;
	[tilespmem:v28+s26+$0x0] =	vst.idx.msk $0xffff, v18  }
.Ltmp1:
0xaa: {  	[tilespmem:v29+s26+$0x0] =	vst.idx.msk $0xffff, v21;
	(pc) =	sbr.rel @p0 .LBB2_2-.Ltmp1, $4  }
0xab: {  	[tilespmem:v30+s26+$0x0] =	vst.idx.msk $0xffff, v27  }
0xac: {  	[tilespmem:v63+s26+$0x0] =	vst.idx.msk $0xffff, v25  }
0xad: {  	s24 =	sadd.s32 $0x7, s24;
	s25 =	sadd.s32 s31, s5;
	[tilespmem:v17+s26+$0x0] =	vst.idx.msk $0xffff, v26  }
0xae: {  	[hbm4b:s25+s18] =	stream.strided.scatter [tilespmem:s26], [sflag:s24], $0x2000, s19, s18, $0x38;
	[tilespmem:$0x16400] =	vst v63  }
0xaf: {  	s22 =	sadd.s32 $0x1, s22  }
0xb0: {  	_ =	swait.ge [sflag:s20], $0x2000;
	p0 =	sne.s32 s22, s6  }
.Ltmp2:
0xb1: {  	[sflag:s20] =	ssyncset.done $0x0;
	(pc) =	sbr.rel @p0 .LBB2_1-.Ltmp2, $4  }
0xb2: {  	[sflag:s20] =	ssyncadd.s32 $0xFFFFE000  }
0xb3: {  	_ =	swait.ge [sflag:s21], $0x2000  }
0xb4: {  	[sflag:s21] =	ssyncset.done $0x0  }
0xb5: {  	[sflag:s21] =	ssyncadd.s32 $0xFFFFE000  }
0xb6: {  	_ =	sfence.sel $0x180000  }
0xb7: {  	[bflag:$0x0] =	sbarrier.arrive $0xFFFF  }
0xb8: {  	p0 =	sne.s32 s1, $0x0;
	_ =	strace $0x9000004A  }
0xb9: {  	s0 =	sadd.s32 @!p0 $0x100000, s0;
	[bflag:$0x2] =	sbarrier.arrive $0xFFFF  }
0xba: {  	[sflag:s0] =	ssyncadd.tile.s32 @!p0 $0x1;
	_ =	shalt  }
.Lfunc_end2:
_tile_overlayer_lowered:
.L_overlay_start_2:
0xbb: {  	(tag) =	ssettag $0x2  }
0xbc: {  	s0 =	rddreg [dreg:$0x0];
	s2 =	stileid.u32  }
0xbd: {  	s1 =	rddreg [dreg:$0x1];
	p0 =	sne.s32 s2, $0x0  }
0xbe: {  	s3 =	rddreg [dreg:$0x2];
	[bflag:$0x3] =	sbarrier.arrive $0xFFFF;
	s2 =	simm.s32 @!p0 $0x1C09  }
0xbf: {  	[timem:s3], [sflag:s2] =	dma.local @!p0 [hbm:s0], s1  }
0xc0: {  	s0 =	simm.s32 @!p0 $0x9  }
0xc1: {  	_ =	swait.ge @!p0 [sflag:s0], s1  }
0xc2: {  	s1 =	ssub.s32 @!p0 $0x0, s1;
	[sflag:s0] =	ssyncset.done @!p0 $0x0  }
0xc3: {  	[sflag:s0] =	ssyncadd.s32 @!p0 s1  }
0xc4: {  	[bflag:$0x3] =	sbarrier.arrive $0xFFFF  }
0xc5: {  	_ =	shalt  }

// kernel: sparse-core-data-format-call.cloned.1.call-start
scs
called_computation_lowered:
.L_overlay_start_0:
0x0: {  	s1 =	sld [smem:$0x3FD9]  }
0x1: {  	s2 =	sld [smem:$0x3FFE];
	_ =	sdelay $0x1  }
0x2: {  	s3 =	srdreg.scid  }
0x3: {  	s0 =	sand.u32 $0x1, s3  }
0x4: {  	s17 =	sshll.u32 s0, $0xA;
	s1 =	sadd.s32 s2, s1  }
0x5: {  	s1 =	sadd.s32 s1, s17  }
0x6: {  	[smem:$0x3FC6] =	sst s1  }
0x7: {  	_ = 	snop  }
0x8: {  	(tm) =	ssettm $0x1  }
0x9: {  	s18 =	sld [smem:$0x3FFB];
	_ =	sdelay $0x3  }
0xa: {  	_ =	strace s18  }
0xb: {  	s1 =	sld [smem:$0x3FFC];
	_ =	sdelay $0x3  }
0xc: {  	_ =	strace s1  }
0xd: {  	s1 =	sld [smem:$0x3FFD];
	_ =	sdelay $0x3  }
0xe: {  	_ =	strace s1  }
0xf: {  	_ =	strace $0x8FFFFFFF  }
0x10: {  	s19 =	sld [smem:$0x3FDB];
	_ =	sdelay $0x1  }
0x11: {  	s20 =	simm.s32 $_scs_section_size  }
0x12: {  	s4 =	simm.s32 $_size__tile_overlayer_lowered;
	s5 =	simm.s32 $_tile_overlayer_lowered  }
0x13: {  	s23 =	simm.s32 $0x1BFF;
	s22 =	sshll.u32 s5, $0x1;
	s1 =	sadd.s32 s20, s19  }
0x14: {  	s6 =	simm.s32 $0x0;
	s21 =	sshll.u32 s4, $0x1;
	s4 =	sadd.s32 s22, s1  }
0x15: {  	[timem:s6], [sflag:s23] =	dma.local [hbm:s4], s21  }
0x16: {  	_ =	swait.ge [sflag:s23], s21  }
0x17: {  	s2 =	ssub.s32 $0x0, s21;
	[sflag:s23] =	ssyncset.done $0x0  }
0x18: {  	[sflag:s23] =	ssyncadd.s32 s2;
	_ =	sdelay $0x1  }
0x19: {  	s24 =	simm.s32 $0x1B8B  }
0x1a: {  	_ =	swait.ge [sflag:s24], $0x1  }
0x1b: {  	[sflag:s24] =	ssyncset.done $0x0  }
0x1c: {  	s26 =	simm.s32 $0x1B8E;
	s25 =	sld [smem:$0x3FFE];
	[sflag:s24] =	ssyncadd.s32 $0xFFFFFFFF  }
0x1d: {  	s27 =	simm.s32 $execute0_lowered;
	[smem:$0x3FD2] =	sst s26  }
0x1e: {  	s4 =	sshll.u32 s27, $0x1;
	_ =	strace $0x80000046;
	[dreg:$0x1] =	wrdreg $0xFFFFFFFF  }
0x1f: {  	s28 =	simm.s32 $_size_execute0_lowered;
	s1 =	sadd.s32 s1, s4;
	[dreg:$0x0] =	wrdreg $0x0  }
0x20: {  	s4 =	sshll.u32 s28, $0x1;
	[dreg:$0x2] =	wrdreg s1  }
0x21: {  	[dreg:$0x3] =	wrdreg s4  }
0x22: {  	[dreg:$0x4] =	wrdreg $0xC0  }
0x23: {  	_ =	task [dreg:s6], $0x5FFFF  }
0x24: {  	[dreg:$0x1] =	wrdreg $0xFFFFFFFF  }
0x25: {  	[dreg:$0x0] =	wrdreg $0x60  }
0x26: {  	[dreg:$0x2] =	wrdreg s25  }
0x27: {  	[dreg:$0x3] =	wrdreg $0x9  }
0x28: {  	_ =	task.clear_ibuf [dreg:s6], $0x4FFFF;
	_ =	strace $0x90000046  }
0x29: {  	s29 =	simm.s32 $0x9;
	_ =	strace $0x80000048  }
0x2a: {  	_ =	swait.ge [sflag:s29], $0x1  }
0x2b: {  	[sflag:s29] =	ssyncadd.s32 $0xFFFFFFFF  }
0x2c: {  	_ =	strace $0x90000048  }
0x2d: {  	_ =	sfence  }
0x2e: {  	s30 =	sld [smem:$0x0];
	_ =	sdelay $0x2  }
0x2f: {  	s31 =	sshll.u32 s3, $0xD;
	s3 =	sshrl.u32 s3, $0x2  }
0x30: {  	s2 =	sand.u32 $0x4000, s31;
	s1 =	sadd.s32 s3, s30  }
0x31: {  	s0 =	sor.u32 s2, s0;
	s1 =	sshll.u32 s1, $0x11  }
0x32: {  	s0 =	sor.u32 s1, s0  }
0x33: {  	s0 =	sadd.s32 $0x8F2B, s0  }
0x34: {  	[sflag:s0] =	ssyncadd.remote.s32 $0x1  }
0x35: {  	_ =	sfence.sel $0xFFFF  }
0x36: {  	[dreg:$0x0] =	wrdreg $0xFFFFFFFF;
	(pc) =	sbr.abs _section_cstart, $3  }
0x37: {  	[dreg:$0x1] =	wrdreg $0xFFFFFFFF  }
0x38: {  	_ =	task.clear_ibuf [dreg:s6], $0x2FFFF;
	_ =	strace $0x9FFFFFFF  }
0x39: {  	(tm) =	ssettm $0x7FFFFFFF  }
tec
execute0_lowered:
.L_overlay_start_1:
0x0: {  	(tag) =	ssettag $0x1  }
0x1: {  	s0 =	srdreg.scid  }
0x2: {  	s5 =	rddreg [dreg:$0x0];
	s1 =	stileid.u32;
	s4 =	simm.s32 $0x1  }
0x3: {  	s6 =	simm.s32 $0x2;
	s15 =	simm.s32 $0x0;
	p0 =	por $0x0, $0x0  }
0x4: {  	s8 =	simm.s32 $0x80;
	s14 =	simm.s32 $0x0;
	s2 =	sshll.u32 s0, $0x4  }
0x5: {  	s9 =	simm.s32 $0x0;
	s10 =	simm.s32 $0x0;
	s2 =	sand.u32 $0x10, s2  }
.Ltmp0:
0x6: {  	s12 =	simm.s32 $0x0;
	s3 =	sor.u32 s1, s2;
	(pc) =	sbr.rel .LBB1_1-.Ltmp0, $4  }
0x7: {  	s0 =	rddreg [dreg:$0x1];
	_ =	strace $0x80000047;
	s3 =	sshll.u32 s3, $0x7  }
0x8: {  	s13 =	simm.s32 $0x0;
	[sflag:s4] =	ssyncpa.u1 $0x0;
	s7 =	ssub.s32 $0xF4200, s3  }
0x9: {  	s2 =	sadd.s32 $0xA00, s5;
	[sflag:s6] =	ssyncpa.u1 $0x0;
	s6 =	sshrl.u32 s7, $0xC  }
0xa: {  	s5 =	sadd.s32 $0x7A1E00, s5;
	s11 =	smov.u32 s3;
	s7 =	sadd.s32 $0x2, s6  }
.LBB1_5:
0xb: {  	p1 =	slt.u32 s13, $0x2  }
0xc: {  	s17 =	smov.u32 s15;
	p2 =	sgt.s32 @!p1 s15, $0xF41C0;
	s16 =	sshra.s32 @!p1 s15, $0x1F  }
0xd: {  	p3 =	sgt.s32 @!p1 s14, $0x40;
	s18 =	sshra.s32 @!p1 s14, $0x1F;
	p2 =	por !p2, p1  }
0xe: {  	s15 =	sand.u32 @!p1 s16, s15;
	p3 =	por !p3, p1;
	s16 =	smov.u32 s14  }
0xf: {  	s14 =	sand.u32 @!p1 s18, s14;
	s17 =	simm.s32 @p2 $0xF41C0;
	s16 =	simm.s32 @p3 $0x40  }
0x10: {  	s15 =	ssub.s32 @!p1 s17, s15;
	s14 =	ssub.s32 @!p1 s16, s14  }
0x11: {  	s18 =	smov.u32 s12;
	s16 =	sadd.s32 @!p1 $0xFFF0BE40, s15;
	s17 =	sadd.s32 @!p1 $0xFFFFFFC0, s14  }
0x12: {  	s15 =	ssub.s32 @!p1 $0xF4240, s15;
	p2 =	sgt.s32 @!p1 s16, $0x7F;
	p3 =	sgt.s32 @!p1 s17, $0x3F  }
0x13: {  	s14 =	ssub.s32 @!p1 $0x80, s14;
	p2 =	por !p2, p1;
	p3 =	por !p3, p1  }
0x14: {  	s16 =	sadd.s32 $0x1000, s11;
	s15 =	simm.s32 @!p2 $0x0;
	s14 =	simm.s32 @!p3 $0x0  }
0x15: {  	p2 =	sgt.s32 s16, $0xF423F;
	s14 =	smul.u32 @!p1 s14, s15;
	s15 =	sadd.s32 $0x40, s12  }
0x16: {  	s18 =	smov.u32 @p2 s15  }
0x17: {  	s16 =	smov.u32 @p2 s3;
	p2 =	sgt.s32 s18, $0x3F  }
0x18: {  	s18 =	simm.s32 @p2 $0x0;
	p2 =	sne.s32 s13, s7  }
.Ltmp1:
0x19: {  	p0 =	por !p0, !p0;
	s17 =	simm.s32 @!p1 $0x2;
	(pc) =	sbr.rel @!p2 .LBB1_6-.Ltmp1, $4  }
0x1a: {  	s15 =	smov.u32 s9;
	s9 =	smov.u32 s11;
	s14 =	sand.u32 @!p1 $0x3FFFFFFF, s14  }
0x1b: {  	s11 =	smov.u32 s16;
	_ =	swait.ge @!p1 [sflag:s17], s14;
	s19 =	ssub.s32 @!p1 $0x0, s14  }
0x1c: {  	s14 =	smov.u32 s10;
	s13 =	sadd.s32 $0x1, s13;
	[sflag:s17] =	ssyncset.done @!p1 $0x0  }
0x1d: {  	s10 =	smov.u32 s12;
	s12 =	smov.u32 s18;
	[sflag:s17] =	ssyncadd.s32 @!p1 s19  }
.LBB1_1:
0x1e: {  	p1 =	sgt.u32 s13, s6  }
0x1f: {  	s16 =	sshrl.u32 @!p1 s12, $0x3  }
0x20: {  	s17 =	sshll.u32 @!p1 s11, $0x3;
	s16 =	smul.u32 @!p1 $0x7A1400, s16  }
0x21: {  	s18 =	sshll.u32 @!p1 s12, $0x7;
	s17 =	sand.u32 @!p1 $0xFFFFFC00, s17  }
0x22: {  	s16 =	sadd.s32 @!p1 s16, s17;
	s17 =	sand.u32 @!p1 $0x380, s18  }
0x23: {  	s18 =	sand.u32 @!p1 $0x7F, s11;
	s16 =	sor.u32 @!p1 s17, s16  }
0x24: {  	s17 =	sor.u32 @!p1 s18, s16  }
0x25: {  	s18 =	smulhi.u32 @!p1 $0x218D6287, s17;
	_ =	sdelay $0x1  }
0x26: {  	s16 =	smulhi.u32 @!p1 $0x218D6287, s16;
	s18 =	sshrl.u32 @!p1 s18, $0x11  }
0x27: {  	s18 =	smul.u32 @!p1 $0xF4280, s18  }
0x28: {  	s19 =	sxor.u32 @!p1 $0xFFFFFFFF, s13;
	s16 =	sshrl.u32 @!p1 s16, $0x11  }
0x29: {  	s19 =	sshll.u32 @!p1 s19, $0xD;
	s16 =	sand.u32 @!p1 $0x3F, s16;
	s17 =	ssub.s32 @!p1 s17, s18  }
0x2a: {  	s16 =	smul.u32 @!p1 $0x1E850, s16;
	s18 =	sshrl.u32 @!p1 s17, $0x3;
	s17 =	sand.u32 @!p1 $0x7, s17  }
0x2b: {  	s19 =	sand.u32 @!p1 $0x2000, s19;
	s18 =	sadd.s32 @!p1 s2, s18;
	s17 =	sshll.u32 @!p1 s17, $0x12  }
0x2c: {  	s16 =	sadd.s32 @!p1 s16, s18;
	s17 =	sor.u32 @!p1 $0x400, s17;
	s18 =	simm.s32 @!p1 $0x7A1400  }
0x2d: {  	[tilespmem:s19], [sflag:$0x1] =	stream.strided.gather @!p1 [hbm4b:s16+s17], $0x2000, s18, s17, $0x38;
	[tilespmem:$0x8100] =	vst v63  }
0x2e: {  	p1 =	seq.s32 s13, $0x0  }
0x2f: {  	p2 =	sge.u32 @!p1 s13, s7  }
0x30: {  	p1 =	por p1, p2  }
.Ltmp2:
0x31: {  	_ = 	snop;
	(pc) =	sbr.rel @p1 .LBB1_5-.Ltmp2, $1  }
0x32: {  	_ =	sdelay $0x3  }
0x33: {  	s16 =	simm.s32 $0x1  }
0x34: {  	_ =	swait.ge [sflag:s4], $0x2000;
	s16 =	simm.s32 @!p0 $0x0  }
0x35: {  	[sflag:s4] =	ssyncset.done $0x0;
	s17 =	sshll.u32 s16, $0xD  }
0x36: {  	[sflag:s4] =	ssyncadd.s32 $0xFFFFE000;
	s17 =	sor.u32 $0x40, s17  }
0x37: {  	s16 =	smul.u32 $0x8200, s16;
	v0 =	vld [tilespmem:s17+$0x30]  }
0x38: {  	v1 =	vld [tilespmem:s17+$0xFFFFFFD0]  }
0x39: {  	s16 =	sshrl.u32 s16, $0x2;
	v5 =	vld [tilespmem:s17+$0xFFFFFFE0]  }
0x3a: {  	v6 =	vld [tilespmem:s17+$0xFFFFFFF0];
	s19 =	sor.u32 $0x4000, s16  }
0x3b: {  	s31 =	sand.u32 $0x1, s13;
	v4 =	vld [tilespmem:s17+$0x0];
	s18 =	sadd.s32 $0x0, s19  }
0x3c: {  	v3 =	vld [tilespmem:s17+$0x10];
	s16 =	smul.u32 $0x8200, s31;
	[tilespmem:s18+$0x1C70 ss:$0x41] =	vst.msk $0xffff, v0  }
0x3d: {  	v2 =	vld [tilespmem:s17+$0x20];
	[tilespmem:s18+$0x410 ss:$0x41] =	vst.msk $0xffff, v1  }
0x3e: {  	s16 =	sshrl.u32 s16, $0x2;
	v1 =	vld [tilespmem:s17+$0xFFFFFFC0];
	[tilespmem:s18+$0x820 ss:$0x41] =	vst.msk $0xffff, v5;
	s17 =	sadd.s32 $0x80, s17  }
0x3f: {  	s20 =	simm.s32 $0x4;
	s21 =	simm.s32 $0x8;
	s16 =	sor.u32 $0x4000, s16;
	[tilespmem:s18+$0xC30 ss:$0x41] =	vst.msk $0xffff, v6;
	v0 =	vld [tilespmem:s17+$0x30]  }
.LBB1_3:
0x40: {  	p1 =	sne.s32 s21, $0xFC;
	v5 =	vld [tilespmem:s17+$0xFFFFFFD0];
	[tilespmem:s18+$0x1040 ss:$0x41] =	vst.msk $0xffff, v4  }
0x41: {  	v6 =	vld [tilespmem:s17+$0xFFFFFFE0];
	[tilespmem:s18+$0x1450 ss:$0x41] =	vst.msk $0xffff, v3  }
0x42: {  	s22 =	sshra.s32 s20, $0x2;
	s20 =	smov.u32 s21;
	v7 =	vld [tilespmem:s17+$0xFFFFFFF0];
	[tilespmem:s18+$0x1860 ss:$0x41] =	vst.msk $0xffff, v2  }
.Ltmp3:
0x43: {  	v4 =	vld [tilespmem:s17+$0x0];
	[tilespmem:s18+$0x0 ss:$0x41] =	vst.msk $0xffff, v1;
	s18 =	sadd.s32 s22, s19;
	(pc) =	sbr.rel @p1 .LBB1_3-.Ltmp3, $4  }
0x44: {  	v3 =	vld [tilespmem:s17+$0x10];
	[tilespmem:s18+$0x1C70 ss:$0x41] =	vst.msk $0xffff, v0  }
0x45: {  	[tilespmem:s18+$0x410 ss:$0x41] =	vst.msk $0xffff, v5;
	v2 =	vld [tilespmem:s17+$0x20]  }
0x46: {  	v1 =	vld [tilespmem:s17+$0xFFFFFFC0];
	[tilespmem:s18+$0x820 ss:$0x41] =	vst.msk $0xffff, v6;
	s17 =	sadd.s32 $0x80, s17  }
0x47: {  	s21 =	sadd.s32 $0x4, s21;
	v0 =	vld [tilespmem:s17+$0x30];
	[tilespmem:s18+$0xC30 ss:$0x41] =	vst.msk $0xffff, v7  }
0x48: {  	s21 =	sshll.u32 s9, $0x7;
	s22 =	sshll.u32 s10, $0x3;
	s20 =	sshra.s32 s20, $0x2  }
0x49: {  	p1 =	sgt.s32 s9, $0xF41C0;
	s30 =	sshra.s32 s9, $0x1F;
	s25 =	sshra.s32 s10, $0x1F  }
0x4a: {  	v5 =	vld [tilespmem:s17+$0xFFFFFFD0];
	s28 =	sshrl.u32 s10, $0x3;
	s23 =	sand.u32 $0xFFFFFC00, s21;
	s22 =	sand.u32 $0xFFFFFC00, s22  }
0x4b: {  	[tilespmem:s18+$0x1040 ss:$0x41] =	vst.msk $0xffff, v4;
	v58 =	vld [tilespmem:s17+$0xFFFFFFE0];
	s21 =	sand.u32 $0x380, s21;
	s19 =	sadd.s32 s20, s19;
	s22 =	sadd.s32 s22, s23  }
0x4c: {  	v59 =	vld [tilespmem:s17+$0xFFFFFFF0];
	[tilespmem:s18+$0x1450 ss:$0x41] =	vst.msk $0xffff, v3;
	s29 =	sor.u32 s21, s22;
	s21 =	smov.u32 s9;
	s22 =	sand.u32 s30, s9  }
0x4d: {  	v60 =	vld [tilespmem:s17+$0x0];
	[tilespmem:s18+$0x1860 ss:$0x41] =	vst.msk $0xffff, v2;
	s30 =	sand.u32 $0x7, s10;
	s20 =	sshrl.u32 s29, $0x7;
	s21 =	simm.s32 @!p1 $0xF41C0  }
0x4e: {  	v61 =	vld [tilespmem:s17+$0x10];
	[tilespmem:s18+$0x0 ss:$0x41] =	vst.msk $0xffff, v1;
	p1 =	sgt.s32 s10, $0x40;
	s24 =	ssub.s32 s21, s22;
	s21 =	smov.u32 s10  }
0x4f: {  	v62 =	vld [tilespmem:s17+$0x20];
	[tilespmem:s19+$0x1C70 ss:$0x41] =	vst.msk $0xffff, v0;
	s31 =	smulhi.u32 $0x218DEF5, s20;
	s22 =	sand.u32 s25, s10;
	s21 =	simm.s32 @!p1 $0x40  }
0x50: {  	v63 =	vld [tilespmem:s17+$0xFFFFFFC0];
	[tilespmem:s19+$0x410 ss:$0x41] =	vst.msk $0xffff, v5;
	s26 =	sadd.s32 $0xFFF0BE40, s24;
	s17 =	ssub.s32 $0xF4240, s24;
	s21 =	ssub.s32 s21, s22  }
0x51: {  	[tilespmem:s19+$0x820 ss:$0x41] =	vst.msk $0xffff, v58;
	s23 =	sshrl.u32 s31, $0xD;
	p1 =	sgt.s32 s26, $0x7F;
	s27 =	sadd.s32 $0xFFFFFFC0, s21  }
0x52: {  	[tilespmem:s19+$0xC30 ss:$0x41] =	vst.msk $0xffff, v59;
	s23 =	smul.u32 $0xF4240, s23;
	s18 =	ssub.s32 $0x80, s21;
	p2 =	sgt.s32 s27, $0x3F  }
.Ltmp4:
0x53: {  	[tilespmem:s19+$0x1040 ss:$0x41] =	vst.msk $0xffff, v60;
	s17 =	simm.s32 @p1 $0x0;
	s18 =	simm.s32 @p2 $0x0;
	(pc) =	sbr.rel .LBB1_5-.Ltmp4, $4  }
0x54: {  	s29 =	sand.u32 $0xF, s28;
	[tilespmem:s19+$0x1450 ss:$0x41] =	vst.msk $0xffff, v61;
	s20 =	ssub.s32 s20, s23;
	s17 =	smul.u32 s18, s17  }
0x55: {  	[tilespmem:s19+$0x1860 ss:$0x41] =	vst.msk $0xffff, v62;
	s21 =	sshll.u32 s30, $0x12;
	s20 =	sshll.u32 s20, $0x4;
	s18 =	sadd.s32 s5, s29  }
0x56: {  	[tilespmem:s19+$0x0 ss:$0x41] =	vst.msk $0xffff, v63;
	s31 =	sor.u32 $0x40, s21;
	s18 =	sadd.s32 s20, s18;
	s17 =	sand.u32 $0x3FFFFFFF, s17  }
0x57: {  	[hbm4b:s18+s31] =	stream.strided.scatter [tilespmem:s16], [sflag:$0x2], s17, s8, s31, $0x18;
	[tilespmem:$0x8100] =	vst v63  }
.LBB1_6:
0x58: {  	_ =	sfence.sel $0x180000  }
0x59: {  	s2 =	simm.s32 $0x1;
	[bflag:$0x0] =	sbarrier.arrive $0xFFFF  }
0x5a: {  	s31 =	simm.s32 $0x2;
	[sflag:s2] =	ssyncpa.u1 $0x1  }
0x5b: {  	[sflag:s31] =	ssyncpa.u1 $0x1  }
0x5c: {  	p0 =	sne.s32 s1, $0x0;
	_ =	strace $0x90000047  }
0x5d: {  	s0 =	sadd.s32 @!p0 $0x100000, s0;
	[bflag:$0x2] =	sbarrier.arrive $0xFFFF  }
0x5e: {  	[sflag:s0] =	ssyncadd.tile.s32 @!p0 $0x1;
	_ =	shalt  }
.Lfunc_end1:
_tile_overlayer_lowered:
.L_overlay_start_2:
0x5f: {  	(tag) =	ssettag $0x2  }
0x60: {  	s0 =	rddreg [dreg:$0x0];
	s2 =	stileid.u32  }
0x61: {  	s1 =	rddreg [dreg:$0x1];
	p0 =	sne.s32 s2, $0x0  }
0x62: {  	s3 =	rddreg [dreg:$0x2];
	[bflag:$0x3] =	sbarrier.arrive $0xFFFF;
	s2 =	simm.s32 @!p0 $0x1C01  }
0x63: {  	[timem:s3], [sflag:s2] =	dma.local @!p0 [hbm:s0], s1  }
0x64: {  	s0 =	simm.s32 @!p0 $0x1  }
0x65: {  	_ =	swait.ge @!p0 [sflag:s0], s1  }
0x66: {  	s1 =	ssub.s32 @!p0 $0x0, s1;
	[sflag:s0] =	ssyncset.done @!p0 $0x0  }
0x67: {  	[sflag:s0] =	ssyncadd.s32 @!p0 s1  }
0x68: {  	[bflag:$0x3] =	sbarrier.arrive $0xFFFF  }
0x69: {  	_ =	shalt  }

</sc_bundles>
